<compile_context>
chip_gen: v7x
topology: tpu7x:2x2x1
jax: 0.10.2.dev20260603
libtpu: 0.0.44.dev20260713+nightly
codegen_flags: <defaults>
</compile_context>

<pallas_src>
import functools

import jax
import jax.numpy as jnp
from jax import lax
from jax.experimental import pallas as pl
from jax.experimental.pallas import tpu as pltpu
from jax.experimental.pallas import tpu_sc as plsc

_VOCAB = 1000
_D = 128
_CTX = 200
_H1 = 256
_H2 = 128
_K = _CTX * _D
_RB = 32
_NSTEP = _H1 // _RB

_ROWS_PER_WORKER = 8
_NWORKERS = _CTX // _ROWS_PER_WORKER



@functools.lru_cache(maxsize=1)
def _make_sc_gather():
    mesh = plsc.VectorSubcoreMesh(core_axis_name="c", subcore_axis_name="s")

    @functools.partial(
        pl.kernel,
        mesh=mesh,
        out_type=jax.ShapeDtypeStruct((_CTX, _D), jnp.float32),
        scratch_types=[
            pltpu.VMEM((_ROWS_PER_WORKER,), jnp.int32),
            pltpu.VMEM((_ROWS_PER_WORKER, _D), jnp.float32),
            pltpu.SemaphoreType.DMA,
        ],
    )
    def _sc_gather(idx_hbm, table_hbm, out_hbm, idx_v, rows_v, sem):
        nc = 2
        wid = lax.axis_index("s") * nc + lax.axis_index("c")

        @pl.when(wid < _NWORKERS)
        def _():
            base = pl.multiple_of(wid * _ROWS_PER_WORKER, 8)
            pltpu.sync_copy(idx_hbm.at[pl.ds(base, _ROWS_PER_WORKER)], idx_v)
            pltpu.async_copy(table_hbm.at[idx_v], rows_v, sem).wait()
            pltpu.sync_copy(rows_v, out_hbm.at[pl.ds(base, _ROWS_PER_WORKER)])

    return _sc_gather



def _mlp_body(x_ref, w1_ref, w2_ref, w3_ref, b1_ref, b2_ref, b3_ref,
              out_ref, acc_ref):
    i = pl.program_id(0)

    local = jnp.zeros((_RB, _D), jnp.float32)
    for j in range(_CTX):
        sl = pl.ds(j * _D, _D)
        local = local + w1_ref[:, sl] * x_ref[j:j + 1, :]
    acc_ref[pl.ds(i * _RB, _RB), :] = local

    @pl.when(i == _NSTEP - 1)
    def _():
        acc_t = jnp.swapaxes(acc_ref[...], 0, 1)
        h1 = jnp.sum(acc_t, axis=0, keepdims=True) + b1_ref[...].reshape(1, _H1)
        h1 = jnp.maximum(h1, 0.0)
        h2 = lax.dot_general(h1, w2_ref[...], (((1,), (1,)), ((), ())),
                             preferred_element_type=jnp.float32)
        h2 = jnp.maximum(h2 + b2_ref[...].reshape(1, _H2), 0.0)
        logits = lax.dot_general(h2, w3_ref[...], (((1,), (1,)), ((), ())),
                                 preferred_element_type=jnp.float32)
        logits = logits + b3_ref[...].reshape(1, _VOCAB)
        m = jnp.max(logits, axis=1, keepdims=True)
        ssum = jnp.sum(jnp.exp(logits - m), axis=1, keepdims=True)
        out_ref[...] = logits - m - jnp.log(ssum)


def _mlp(x, W1, W2, W3, b1, b2, b3, interpret=False):
    return pl.pallas_call(
        _mlp_body,
        grid=(_NSTEP,),
        in_specs=[
            pl.BlockSpec((_CTX, _D), lambda i: (0, 0)),
            pl.BlockSpec((_RB, _K), lambda i: (i, 0)),
            pl.BlockSpec((_H2, _H1), lambda i: (0, 0)),
            pl.BlockSpec((_VOCAB, _H2), lambda i: (0, 0)),
            pl.BlockSpec((_H1,), lambda i: (0,)),
            pl.BlockSpec((_H2,), lambda i: (0,)),
            pl.BlockSpec((_VOCAB,), lambda i: (0,)),
        ],
        out_specs=pl.BlockSpec((1, _VOCAB), lambda i: (0, 0)),
        out_shape=jax.ShapeDtypeStruct((1, _VOCAB), jnp.float32),
        scratch_shapes=[pltpu.VMEM((_H1, _D), jnp.float32)],
        interpret=interpret,
    )(x, W1, W2, W3, b1, b2, b3)


def kernel(inputs, emb, W1, b1, W2, b2, W3, b3):
    g = _make_sc_gather()(inputs, emb)
    return _mlp(g, W1, W2, W3, b1, b2, b3)

# --- scband reference (transcript-rebuilt; emitter-appended) ---
"""Pipeline reference for scband-ngram-language-modeler-35527969472784 (READ-ONLY COPY).

The authoritative reference and input builder live on the scoring server;
editing this copy changes nothing except your own understanding.
"""

import jax, jax.numpy as jnp
import numpy as np

V = 1000
D = 128
C = 200

def setup_inputs(seed: int = 0) -> dict:
    key = jax.random.key(seed)
    ks = jax.random.split(key, 8)
    inputs = jax.random.randint(ks[0], (C,), 0, V)
    emb = jax.random.normal(ks[1], (V, D), dtype=jnp.float32)
    W1 = jax.random.normal(ks[2], (256, C * D), dtype=jnp.float32) * (1.0 / np.sqrt(C * D))
    b1 = jnp.zeros((256,), jnp.float32)
    W2 = jax.random.normal(ks[3], (128, 256), dtype=jnp.float32) * (1.0 / np.sqrt(256))
    b2 = jnp.zeros((128,), jnp.float32)
    W3 = jax.random.normal(ks[4], (V, 128), dtype=jnp.float32) * (1.0 / np.sqrt(128))
    b3 = jnp.zeros((V,), jnp.float32)
    return {"inputs": inputs, "emb": emb, "W1": W1, "b1": b1, "W2": W2, "b2": b2, "W3": W3, "b3": b3}

def reference(inputs, emb, W1, b1, W2, b2, W3, b3):
    embeds = jnp.take(emb, inputs, axis=0).reshape(1, -1)
    out = jax.nn.relu(embeds @ W1.T + b1)
    out = jax.nn.relu(out @ W2.T + b2)
    out = out @ W3.T + b3
    log_probs = jax.nn.log_softmax(out, axis=1)
    return log_probs

if __name__ == "__main__":
    import jax
    _d = setup_inputs()
    print(jax.jit(kernel)(*tuple(_d.values())))

</pallas_src>

<mosaic_0001>
#map = affine_map<(d0, d1) -> (0)>
#map1 = affine_map<(d0, d1) -> (0, 0)>
module attributes {stable_mosaic.version = 14 : i64} {
  func.func @_sc_gather(%arg0: i32, %arg1: i32, %arg2: memref<200xi32, #tpu.memory_space<hbm>>, %arg3: memref<1000x128xf32, #tpu.memory_space<hbm>>, %arg4: memref<200x128xf32, #tpu.memory_space<hbm>>, %arg5: memref<8xi32, #tpu.memory_space<vmem>>, %arg6: memref<8x128xf32, #tpu.memory_space<vmem>>, %arg7: memref<!tpu.dma_semaphore, #tpu.memory_space<semaphore_mem>>) attributes {dimension_semantics = [#tpu.dimension_semantics<core_parallel>, #tpu.dimension_semantics<subcore_parallel>], iteration_bounds = array<i64: 2, 16>, scalar_prefetch = 0 : i64, scratch_operands = 3 : i64, tpu.core_type = #tpu.core_type<sc_vector_subcore>, window_params = [{transform_indices = #map}, {transform_indices = #map1}, {transform_indices = #map1}]} {
    %mul3A = arith.constant 2 : i32
    %mul3A_0 = arith.muli %arg1, %mul3A : i32
    %add3A = arith.addi %mul3A_0, %arg0 : i32
    %lt3A = arith.constant 25 : i32
    %lt3A_1 = arith.cmpi slt, %add3A, %lt3A : i32
    %convert_element_type3A = arith.extui %lt3A_1 : i1 to i32
    %cond3A = arith.constant 0 : i32
    %cond3A_2 = arith.cmpi ne, %convert_element_type3A, %cond3A : i32
    scf.if %cond3A_2 {
      %mul3A_3 = arith.constant 8 : i32
      %mul3A_4 = arith.muli %add3A, %mul3A_3 : i32
      %multiple_of3A = tpu.assume_multiple %mul3A_4, 8 : i32
      "tpu.region"() ({
        %run_scoped3A = tpu.sem_alloc : memref<!tpu.dma_semaphore, #tpu.memory_space<semaphore_mem>>
        %dma_start3A_9 = tpu.memref_slice %arg2[%multiple_of3A] : memref<200xi32, #tpu.memory_space<hbm>> -> memref<8xi32, #tpu.memory_space<hbm>>
        %dma_start3A_10 = tpu.memref_slice %arg2[%multiple_of3A] : memref<200xi32, #tpu.memory_space<hbm>> -> memref<8xi32, #tpu.memory_space<hbm>>
        tpu.enqueue_dma source(%dma_start3A_10 : memref<8xi32, #tpu.memory_space<hbm>>) target(%arg5 : memref<8xi32, #tpu.memory_space<vmem>>) target_semaphore(%run_scoped3A : memref<!tpu.dma_semaphore, #tpu.memory_space<semaphore_mem>>)
        %dma_wait3A_11 = tpu.memref_slice %arg2[%multiple_of3A] : memref<200xi32, #tpu.memory_space<hbm>> -> memref<8xi32, #tpu.memory_space<hbm>>
        %dma_wait3A_12 = tpu.memref_slice %arg2[%multiple_of3A] : memref<200xi32, #tpu.memory_space<hbm>> -> memref<8xi32, #tpu.memory_space<hbm>>
        tpu.wait_dma2 semaphore(%run_scoped3A : memref<!tpu.dma_semaphore, #tpu.memory_space<semaphore_mem>>) src(%dma_wait3A_12 : memref<8xi32, #tpu.memory_space<hbm>>) dst(%arg5 : memref<8xi32, #tpu.memory_space<vmem>>)
        tpu.yield
      }) : () -> ()
      %dma_start3A = arith.constant 0 : i32
      %dma_start3A_5 = arith.constant 0 : i32
      %dma_start3A_6 = tpu.memref_slice %arg3[%dma_start3A, %dma_start3A_5] : memref<1000x128xf32, #tpu.memory_space<hbm>> -> memref<1000x128xf32, #tpu.memory_space<hbm>>
      tpu.enqueue_indirect_dma source(%dma_start3A_6 : memref<1000x128xf32, #tpu.memory_space<hbm>>) target(%arg6 : memref<8x128xf32, #tpu.memory_space<vmem>>) offsets(%arg5 : memref<8xi32, #tpu.memory_space<vmem>>) semaphore(%arg7 : memref<!tpu.dma_semaphore, #tpu.memory_space<semaphore_mem>>)
      %dma_wait3A = arith.constant 0 : i32
      %dma_wait3A_7 = arith.constant 0 : i32
      %dma_wait3A_8 = tpu.memref_slice %arg3[%dma_wait3A, %dma_wait3A_7] : memref<1000x128xf32, #tpu.memory_space<hbm>> -> memref<1000x128xf32, #tpu.memory_space<hbm>>
      tpu.wait_indirect_dma semaphore(%arg7 : memref<!tpu.dma_semaphore, #tpu.memory_space<semaphore_mem>>) src(%dma_wait3A_8 : memref<1000x128xf32, #tpu.memory_space<hbm>>) dst(%arg6 : memref<8x128xf32, #tpu.memory_space<vmem>>)
      "tpu.region"() ({
        %run_scoped3A = tpu.sem_alloc : memref<!tpu.dma_semaphore, #tpu.memory_space<semaphore_mem>>
        %dma_start3A_9 = arith.constant 0 : i32
        %dma_start3A_10 = tpu.memref_slice %arg4[%multiple_of3A, %dma_start3A_9] : memref<200x128xf32, #tpu.memory_space<hbm>> -> memref<8x128xf32, #tpu.memory_space<hbm>>
        %dma_start3A_11 = arith.constant 0 : i32
        %dma_start3A_12 = tpu.memref_slice %arg4[%multiple_of3A, %dma_start3A_11] : memref<200x128xf32, #tpu.memory_space<hbm>> -> memref<8x128xf32, #tpu.memory_space<hbm>>
        tpu.enqueue_dma source(%arg6 : memref<8x128xf32, #tpu.memory_space<vmem>>) target(%dma_start3A_12 : memref<8x128xf32, #tpu.memory_space<hbm>>) target_semaphore(%run_scoped3A : memref<!tpu.dma_semaphore, #tpu.memory_space<semaphore_mem>>)
        %dma_wait3A_13 = arith.constant 0 : i32
        %dma_wait3A_14 = tpu.memref_slice %arg4[%multiple_of3A, %dma_wait3A_13] : memref<200x128xf32, #tpu.memory_space<hbm>> -> memref<8x128xf32, #tpu.memory_space<hbm>>
        %dma_wait3A_15 = arith.constant 0 : i32
        %dma_wait3A_16 = tpu.memref_slice %arg4[%multiple_of3A, %dma_wait3A_15] : memref<200x128xf32, #tpu.memory_space<hbm>> -> memref<8x128xf32, #tpu.memory_space<hbm>>
        tpu.wait_dma2 semaphore(%run_scoped3A : memref<!tpu.dma_semaphore, #tpu.memory_space<semaphore_mem>>) src(%arg6 : memref<8x128xf32, #tpu.memory_space<vmem>>) dst(%dma_wait3A_16 : memref<8x128xf32, #tpu.memory_space<hbm>>)
        tpu.yield
      }) : () -> ()
    } else {
    }
    return
  }
}

module attributes {stable_mosaic.version = 14 : i64} {
  func.func @_mlp_body(%arg0: i32, %arg1: memref<200x128xf32, #tpu.memory_space<vmem>>, %arg2: memref<32x25600xf32, #tpu.memory_space<vmem>>, %arg3: memref<128x256xf32, #tpu.memory_space<vmem>>, %arg4: memref<1000x128xf32, #tpu.memory_space<vmem>>, %arg5: memref<256xf32, #tpu.memory_space<vmem>>, %arg6: memref<128xf32, #tpu.memory_space<vmem>>, %arg7: memref<1000xf32, #tpu.memory_space<vmem>>, %arg8: memref<1x1000xf32, #tpu.memory_space<vmem>>, %arg9: memref<256x128xf32, #tpu.memory_space<vmem>>) attributes {dimension_semantics = [#tpu.dimension_semantics<arbitrary>], iteration_bounds = array<i64: 8>, scalar_prefetch = 0 : i64, scratch_operands = 1 : i64, tpu.core_type = #tpu.core_type<tc>, window_params = [{pipeline_mode = #tpu.pipeline_mode<synchronous>, transform_indices = @transform_0, window_bounds = array<i64: 200, 128>}, {transform_indices = @transform_1, window_bounds = array<i64: 32, 25600>}, {pipeline_mode = #tpu.pipeline_mode<synchronous>, transform_indices = @transform_2, window_bounds = array<i64: 128, 256>}, {pipeline_mode = #tpu.pipeline_mode<synchronous>, transform_indices = @transform_3, window_bounds = array<i64: 1000, 128>}, {pipeline_mode = #tpu.pipeline_mode<synchronous>, transform_indices = @transform_4, window_bounds = array<i64: 256>}, {pipeline_mode = #tpu.pipeline_mode<synchronous>, transform_indices = @transform_5, window_bounds = array<i64: 128>}, {pipeline_mode = #tpu.pipeline_mode<synchronous>, transform_indices = @transform_6, window_bounds = array<i64: 1000>}, {pipeline_mode = #tpu.pipeline_mode<synchronous>, transform_indices = @transform_7, window_bounds = array<i64: 1, 1000>}]} {
    %broadcast_in_dim3A = arith.constant 0.000000e+00 : f32
    %broadcast_in_dim3A_0 = vector.broadcast %broadcast_in_dim3A : f32 to vector<32x128xf32>
    %get3A = arith.constant 0 : index
    %get3A_1 = arith.constant 0 : index
    %get3A_2 = vector.load %arg2[%get3A, %get3A_1] : memref<32x25600xf32, #tpu.memory_space<vmem>>, vector<32x128xf32>
    %get3A_3 = arith.constant 0 : index
    %get3A_4 = arith.constant 0 : index
    %get3A_5 = vector.load %arg1[%get3A_3, %get3A_4] : memref<200x128xf32, #tpu.memory_space<vmem>>, vector<1x128xf32>
    %mul3A = vector.broadcast %get3A_5 : vector<1x128xf32> to vector<32x128xf32>
    %mul3A_6 = arith.mulf %get3A_2, %mul3A : vector<32x128xf32>
    %add3A = arith.addf %broadcast_in_dim3A_0, %mul3A_6 : vector<32x128xf32>
    %get3A_7 = arith.constant 0 : index
    %get3A_8 = arith.constant 128 : index
    %get3A_9 = vector.load %arg2[%get3A_7, %get3A_8] : memref<32x25600xf32, #tpu.memory_space<vmem>>, vector<32x128xf32>
    %get3A_10 = arith.constant 1 : index
    %get3A_11 = arith.constant 0 : index
    %get3A_12 = vector.load %arg1[%get3A_10, %get3A_11] : memref<200x128xf32, #tpu.memory_space<vmem>>, vector<1x128xf32>
    %mul3A_13 = vector.broadcast %get3A_12 : vector<1x128xf32> to vector<32x128xf32>
    %mul3A_14 = arith.mulf %get3A_9, %mul3A_13 : vector<32x128xf32>
    %add3A_15 = arith.addf %add3A, %mul3A_14 : vector<32x128xf32>
    %get3A_16 = arith.constant 0 : index
    %get3A_17 = arith.constant 256 : index
    %get3A_18 = vector.load %arg2[%get3A_16, %get3A_17] : memref<32x25600xf32, #tpu.memory_space<vmem>>, vector<32x128xf32>
    %get3A_19 = arith.constant 2 : index
    %get3A_20 = arith.constant 0 : index
    %get3A_21 = vector.load %arg1[%get3A_19, %get3A_20] : memref<200x128xf32, #tpu.memory_space<vmem>>, vector<1x128xf32>
    %mul3A_22 = vector.broadcast %get3A_21 : vector<1x128xf32> to vector<32x128xf32>
    %mul3A_23 = arith.mulf %get3A_18, %mul3A_22 : vector<32x128xf32>
    %add3A_24 = arith.addf %add3A_15, %mul3A_23 : vector<32x128xf32>
    %get3A_25 = arith.constant 0 : index
    %get3A_26 = arith.constant 384 : index
    %get3A_27 = vector.load %arg2[%get3A_25, %get3A_26] : memref<32x25600xf32, #tpu.memory_space<vmem>>, vector<32x128xf32>
    %get3A_28 = arith.constant 3 : index
    %get3A_29 = arith.constant 0 : index
    %get3A_30 = vector.load %arg1[%get3A_28, %get3A_29] : memref<200x128xf32, #tpu.memory_space<vmem>>, vector<1x128xf32>
    %mul3A_31 = vector.broadcast %get3A_30 : vector<1x128xf32> to vector<32x128xf32>
    %mul3A_32 = arith.mulf %get3A_27, %mul3A_31 : vector<32x128xf32>
    %add3A_33 = arith.addf %add3A_24, %mul3A_32 : vector<32x128xf32>
    %get3A_34 = arith.constant 0 : index
    %get3A_35 = arith.constant 512 : index
    %get3A_36 = vector.load %arg2[%get3A_34, %get3A_35] : memref<32x25600xf32, #tpu.memory_space<vmem>>, vector<32x128xf32>
    %get3A_37 = arith.constant 4 : index
    %get3A_38 = arith.constant 0 : index
    %get3A_39 = vector.load %arg1[%get3A_37, %get3A_38] : memref<200x128xf32, #tpu.memory_space<vmem>>, vector<1x128xf32>
    %mul3A_40 = vector.broadcast %get3A_39 : vector<1x128xf32> to vector<32x128xf32>
    %mul3A_41 = arith.mulf %get3A_36, %mul3A_40 : vector<32x128xf32>
    %add3A_42 = arith.addf %add3A_33, %mul3A_41 : vector<32x128xf32>
    %get3A_43 = arith.constant 0 : index
    %get3A_44 = arith.constant 640 : index
    %get3A_45 = vector.load %arg2[%get3A_43, %get3A_44] : memref<32x25600xf32, #tpu.memory_space<vmem>>, vector<32x128xf32>
    %get3A_46 = arith.constant 5 : index
    %get3A_47 = arith.constant 0 : index
    %get3A_48 = vector.load %arg1[%get3A_46, %get3A_47] : memref<200x128xf32, #tpu.memory_space<vmem>>, vector<1x128xf32>
    %mul3A_49 = vector.broadcast %get3A_48 : vector<1x128xf32> to vector<32x128xf32>
    %mul3A_50 = arith.mulf %get3A_45, %mul3A_49 : vector<32x128xf32>
    %add3A_51 = arith.addf %add3A_42, %mul3A_50 : vector<32x128xf32>
    %get3A_52 = arith.constant 0 : index
    %get3A_53 = arith.constant 768 : index
    %get3A_54 = vector.load %arg2[%get3A_52, %get3A_53] : memref<32x25600xf32, #tpu.memory_space<vmem>>, vector<32x128xf32>
    %get3A_55 = arith.constant 6 : index
    %get3A_56 = arith.constant 0 : index
    %get3A_57 = vector.load %arg1[%get3A_55, %get3A_56] : memref<200x128xf32, #tpu.memory_space<vmem>>, vector<1x128xf32>
    %mul3A_58 = vector.broadcast %get3A_57 : vector<1x128xf32> to vector<32x128xf32>
    %mul3A_59 = arith.mulf %get3A_54, %mul3A_58 : vector<32x128xf32>
    %add3A_60 = arith.addf %add3A_51, %mul3A_59 : vector<32x128xf32>
    %get3A_61 = arith.constant 0 : index
    %get3A_62 = arith.constant 896 : index
    %get3A_63 = vector.load %arg2[%get3A_61, %get3A_62] : memref<32x25600xf32, #tpu.memory_space<vmem>>, vector<32x128xf32>
    %get3A_64 = arith.constant 7 : index
    %get3A_65 = arith.constant 0 : index
    %get3A_66 = vector.load %arg1[%get3A_64, %get3A_65] : memref<200x128xf32, #tpu.memory_space<vmem>>, vector<1x128xf32>
    %mul3A_67 = vector.broadcast %get3A_66 : vector<1x128xf32> to vector<32x128xf32>
    %mul3A_68 = arith.mulf %get3A_63, %mul3A_67 : vector<32x128xf32>
    %add3A_69 = arith.addf %add3A_60, %mul3A_68 : vector<32x128xf32>
    %get3A_70 = arith.constant 0 : index
    %get3A_71 = arith.constant 1024 : index
    %get3A_72 = vector.load %arg2[%get3A_70, %get3A_71] : memref<32x25600xf32, #tpu.memory_space<vmem>>, vector<32x128xf32>
    %get3A_73 = arith.constant 8 : index
    %get3A_74 = arith.constant 0 : index
    %get3A_75 = vector.load %arg1[%get3A_73, %get3A_74] : memref<200x128xf32, #tpu.memory_space<vmem>>, vector<1x128xf32>
    %mul3A_76 = vector.broadcast %get3A_75 : vector<1x128xf32> to vector<32x128xf32>
    %mul3A_77 = arith.mulf %get3A_72, %mul3A_76 : vector<32x128xf32>
    %add3A_78 = arith.addf %add3A_69, %mul3A_77 : vector<32x128xf32>
    %get3A_79 = arith.constant 0 : index
    %get3A_80 = arith.constant 1152 : index
    %get3A_81 = vector.load %arg2[%get3A_79, %get3A_80] : memref<32x25600xf32, #tpu.memory_space<vmem>>, vector<32x128xf32>
    %get3A_82 = arith.constant 9 : index
    %get3A_83 = arith.constant 0 : index
    %get3A_84 = vector.load %arg1[%get3A_82, %get3A_83] : memref<200x128xf32, #tpu.memory_space<vmem>>, vector<1x128xf32>
    %mul3A_85 = vector.broadcast %get3A_84 : vector<1x128xf32> to vector<32x128xf32>
    %mul3A_86 = arith.mulf %get3A_81, %mul3A_85 : vector<32x128xf32>
    %add3A_87 = arith.addf %add3A_78, %mul3A_86 : vector<32x128xf32>
    %get3A_88 = arith.constant 0 : index
    %get3A_89 = arith.constant 1280 : index
    %get3A_90 = vector.load %arg2[%get3A_88, %get3A_89] : memref<32x25600xf32, #tpu.memory_space<vmem>>, vector<32x128xf32>
    %get3A_91 = arith.constant 10 : index
    %get3A_92 = arith.constant 0 : index
    %get3A_93 = vector.load %arg1[%get3A_91, %get3A_92] : memref<200x128xf32, #tpu.memory_space<vmem>>, vector<1x128xf32>
    %mul3A_94 = vector.broadcast %get3A_93 : vector<1x128xf32> to vector<32x128xf32>
    %mul3A_95 = arith.mulf %get3A_90, %mul3A_94 : vector<32x128xf32>
    %add3A_96 = arith.addf %add3A_87, %mul3A_95 : vector<32x128xf32>
    %get3A_97 = arith.constant 0 : index
    %get3A_98 = arith.constant 1408 : index
    %get3A_99 = vector.load %arg2[%get3A_97, %get3A_98] : memref<32x25600xf32, #tpu.memory_space<vmem>>, vector<32x128xf32>
    %get3A_100 = arith.constant 11 : index
    %get3A_101 = arith.constant 0 : index
    %get3A_102 = vector.load %arg1[%get3A_100, %get3A_101] : memref<200x128xf32, #tpu.memory_space<vmem>>, vector<1x128xf32>
    %mul3A_103 = vector.broadcast %get3A_102 : vector<1x128xf32> to vector<32x128xf32>
    %mul3A_104 = arith.mulf %get3A_99, %mul3A_103 : vector<32x128xf32>
    %add3A_105 = arith.addf %add3A_96, %mul3A_104 : vector<32x128xf32>
    %get3A_106 = arith.constant 0 : index
    %get3A_107 = arith.constant 1536 : index
    %get3A_108 = vector.load %arg2[%get3A_106, %get3A_107] : memref<32x25600xf32, #tpu.memory_space<vmem>>, vector<32x128xf32>
    %get3A_109 = arith.constant 12 : index
    %get3A_110 = arith.constant 0 : index
    %get3A_111 = vector.load %arg1[%get3A_109, %get3A_110] : memref<200x128xf32, #tpu.memory_space<vmem>>, vector<1x128xf32>
    %mul3A_112 = vector.broadcast %get3A_111 : vector<1x128xf32> to vector<32x128xf32>
    %mul3A_113 = arith.mulf %get3A_108, %mul3A_112 : vector<32x128xf32>
    %add3A_114 = arith.addf %add3A_105, %mul3A_113 : vector<32x128xf32>
    %get3A_115 = arith.constant 0 : index
    %get3A_116 = arith.constant 1664 : index
    %get3A_117 = vector.load %arg2[%get3A_115, %get3A_116] : memref<32x25600xf32, #tpu.memory_space<vmem>>, vector<32x128xf32>
    %get3A_118 = arith.constant 13 : index
    %get3A_119 = arith.constant 0 : index
    %get3A_120 = vector.load %arg1[%get3A_118, %get3A_119] : memref<200x128xf32, #tpu.memory_space<vmem>>, vector<1x128xf32>
    %mul3A_121 = vector.broadcast %get3A_120 : vector<1x128xf32> to vector<32x128xf32>
    %mul3A_122 = arith.mulf %get3A_117, %mul3A_121 : vector<32x128xf32>
    %add3A_123 = arith.addf %add3A_114, %mul3A_122 : vector<32x128xf32>
    %get3A_124 = arith.constant 0 : index
    %get3A_125 = arith.constant 1792 : index
    %get3A_126 = vector.load %arg2[%get3A_124, %get3A_125] : memref<32x25600xf32, #tpu.memory_space<vmem>>, vector<32x128xf32>
    %get3A_127 = arith.constant 14 : index
    %get3A_128 = arith.constant 0 : index
    %get3A_129 = vector.load %arg1[%get3A_127, %get3A_128] : memref<200x128xf32, #tpu.memory_space<vmem>>, vector<1x128xf32>
    %mul3A_130 = vector.broadcast %get3A_129 : vector<1x128xf32> to vector<32x128xf32>
    %mul3A_131 = arith.mulf %get3A_126, %mul3A_130 : vector<32x128xf32>
    %add3A_132 = arith.addf %add3A_123, %mul3A_131 : vector<32x128xf32>
    %get3A_133 = arith.constant 0 : index
    %get3A_134 = arith.constant 1920 : index
    %get3A_135 = vector.load %arg2[%get3A_133, %get3A_134] : memref<32x25600xf32, #tpu.memory_space<vmem>>, vector<32x128xf32>
    %get3A_136 = arith.constant 15 : index
    %get3A_137 = arith.constant 0 : index
    %get3A_138 = vector.load %arg1[%get3A_136, %get3A_137] : memref<200x128xf32, #tpu.memory_space<vmem>>, vector<1x128xf32>
    %mul3A_139 = vector.broadcast %get3A_138 : vector<1x128xf32> to vector<32x128xf32>
    %mul3A_140 = arith.mulf %get3A_135, %mul3A_139 : vector<32x128xf32>
    %add3A_141 = arith.addf %add3A_132, %mul3A_140 : vector<32x128xf32>
    %get3A_142 = arith.constant 0 : index
    %get3A_143 = arith.constant 2048 : index
    %get3A_144 = vector.load %arg2[%get3A_142, %get3A_143] : memref<32x25600xf32, #tpu.memory_space<vmem>>, vector<32x128xf32>
    %get3A_145 = arith.constant 16 : index
    %get3A_146 = arith.constant 0 : index
    %get3A_147 = vector.load %arg1[%get3A_145, %get3A_146] : memref<200x128xf32, #tpu.memory_space<vmem>>, vector<1x128xf32>
    %mul3A_148 = vector.broadcast %get3A_147 : vector<1x128xf32> to vector<32x128xf32>
    %mul3A_149 = arith.mulf %get3A_144, %mul3A_148 : vector<32x128xf32>
    %add3A_150 = arith.addf %add3A_141, %mul3A_149 : vector<32x128xf32>
    %get3A_151 = arith.constant 0 : index
    %get3A_152 = arith.constant 2176 : index
    %get3A_153 = vector.load %arg2[%get3A_151, %get3A_152] : memref<32x25600xf32, #tpu.memory_space<vmem>>, vector<32x128xf32>
    %get3A_154 = arith.constant 17 : index
    %get3A_155 = arith.constant 0 : index
    %get3A_156 = vector.load %arg1[%get3A_154, %get3A_155] : memref<200x128xf32, #tpu.memory_space<vmem>>, vector<1x128xf32>
    %mul3A_157 = vector.broadcast %get3A_156 : vector<1x128xf32> to vector<32x128xf32>
    %mul3A_158 = arith.mulf %get3A_153, %mul3A_157 : vector<32x128xf32>
    %add3A_159 = arith.addf %add3A_150, %mul3A_158 : vector<32x128xf32>
    %get3A_160 = arith.constant 0 : index
    %get3A_161 = arith.constant 2304 : index
    %get3A_162 = vector.load %arg2[%get3A_160, %get3A_161] : memref<32x25600xf32, #tpu.memory_space<vmem>>, vector<32x128xf32>
    %get3A_163 = arith.constant 18 : index
    %get3A_164 = arith.constant 0 : index
    %get3A_165 = vector.load %arg1[%get3A_163, %get3A_164] : memref<200x128xf32, #tpu.memory_space<vmem>>, vector<1x128xf32>
    %mul3A_166 = vector.broadcast %get3A_165 : vector<1x128xf32> to vector<32x128xf32>
    %mul3A_167 = arith.mulf %get3A_162, %mul3A_166 : vector<32x128xf32>
    %add3A_168 = arith.addf %add3A_159, %mul3A_167 : vector<32x128xf32>
    %get3A_169 = arith.constant 0 : index
    %get3A_170 = arith.constant 2432 : index
    %get3A_171 = vector.load %arg2[%get3A_169, %get3A_170] : memref<32x25600xf32, #tpu.memory_space<vmem>>, vector<32x128xf32>
    %get3A_172 = arith.constant 19 : index
    %get3A_173 = arith.constant 0 : index
    %get3A_174 = vector.load %arg1[%get3A_172, %get3A_173] : memref<200x128xf32, #tpu.memory_space<vmem>>, vector<1x128xf32>
    %mul3A_175 = vector.broadcast %get3A_174 : vector<1x128xf32> to vector<32x128xf32>
    %mul3A_176 = arith.mulf %get3A_171, %mul3A_175 : vector<32x128xf32>
    %add3A_177 = arith.addf %add3A_168, %mul3A_176 : vector<32x128xf32>
    %get3A_178 = arith.constant 0 : index
    %get3A_179 = arith.constant 2560 : index
    %get3A_180 = vector.load %arg2[%get3A_178, %get3A_179] : memref<32x25600xf32, #tpu.memory_space<vmem>>, vector<32x128xf32>
    %get3A_181 = arith.constant 20 : index
    %get3A_182 = arith.constant 0 : index
    %get3A_183 = vector.load %arg1[%get3A_181, %get3A_182] : memref<200x128xf32, #tpu.memory_space<vmem>>, vector<1x128xf32>
    %mul3A_184 = vector.broadcast %get3A_183 : vector<1x128xf32> to vector<32x128xf32>
    %mul3A_185 = arith.mulf %get3A_180, %mul3A_184 : vector<32x128xf32>
    %add3A_186 = arith.addf %add3A_177, %mul3A_185 : vector<32x128xf32>
    %get3A_187 = arith.constant 0 : index
    %get3A_188 = arith.constant 2688 : index
    %get3A_189 = vector.load %arg2[%get3A_187, %get3A_188] : memref<32x25600xf32, #tpu.memory_space<vmem>>, vector<32x128xf32>
    %get3A_190 = arith.constant 21 : index
    %get3A_191 = arith.constant 0 : index
    %get3A_192 = vector.load %arg1[%get3A_190, %get3A_191] : memref<200x128xf32, #tpu.memory_space<vmem>>, vector<1x128xf32>
    %mul3A_193 = vector.broadcast %get3A_192 : vector<1x128xf32> to vector<32x128xf32>
    %mul3A_194 = arith.mulf %get3A_189, %mul3A_193 : vector<32x128xf32>
    %add3A_195 = arith.addf %add3A_186, %mul3A_194 : vector<32x128xf32>
    %get3A_196 = arith.constant 0 : index
    %get3A_197 = arith.constant 2816 : index
    %get3A_198 = vector.load %arg2[%get3A_196, %get3A_197] : memref<32x25600xf32, #tpu.memory_space<vmem>>, vector<32x128xf32>
    %get3A_199 = arith.constant 22 : index
    %get3A_200 = arith.constant 0 : index
    %get3A_201 = vector.load %arg1[%get3A_199, %get3A_200] : memref<200x128xf32, #tpu.memory_space<vmem>>, vector<1x128xf32>
    %mul3A_202 = vector.broadcast %get3A_201 : vector<1x128xf32> to vector<32x128xf32>
    %mul3A_203 = arith.mulf %get3A_198, %mul3A_202 : vector<32x128xf32>
    %add3A_204 = arith.addf %add3A_195, %mul3A_203 : vector<32x128xf32>
    %get3A_205 = arith.constant 0 : index
    %get3A_206 = arith.constant 2944 : index
    %get3A_207 = vector.load %arg2[%get3A_205, %get3A_206] : memref<32x25600xf32, #tpu.memory_space<vmem>>, vector<32x128xf32>
    %get3A_208 = arith.constant 23 : index
    %get3A_209 = arith.constant 0 : index
    %get3A_210 = vector.load %arg1[%get3A_208, %get3A_209] : memref<200x128xf32, #tpu.memory_space<vmem>>, vector<1x128xf32>
    %mul3A_211 = vector.broadcast %get3A_210 : vector<1x128xf32> to vector<32x128xf32>
    %mul3A_212 = arith.mulf %get3A_207, %mul3A_211 : vector<32x128xf32>
    %add3A_213 = arith.addf %add3A_204, %mul3A_212 : vector<32x128xf32>
    %get3A_214 = arith.constant 0 : index
    %get3A_215 = arith.constant 3072 : index
    %get3A_216 = vector.load %arg2[%get3A_214, %get3A_215] : memref<32x25600xf32, #tpu.memory_space<vmem>>, vector<32x128xf32>
    %get3A_217 = arith.constant 24 : index
    %get3A_218 = arith.constant 0 : index
    %get3A_219 = vector.load %arg1[%get3A_217, %get3A_218] : memref<200x128xf32, #tpu.memory_space<vmem>>, vector<1x128xf32>
    %mul3A_220 = vector.broadcast %get3A_219 : vector<1x128xf32> to vector<32x128xf32>
    %mul3A_221 = arith.mulf %get3A_216, %mul3A_220 : vector<32x128xf32>
    %add3A_222 = arith.addf %add3A_213, %mul3A_221 : vector<32x128xf32>
    %get3A_223 = arith.constant 0 : index
    %get3A_224 = arith.constant 3200 : index
    %get3A_225 = vector.load %arg2[%get3A_223, %get3A_224] : memref<32x25600xf32, #tpu.memory_space<vmem>>, vector<32x128xf32>
    %get3A_226 = arith.constant 25 : index
    %get3A_227 = arith.constant 0 : index
    %get3A_228 = vector.load %arg1[%get3A_226, %get3A_227] : memref<200x128xf32, #tpu.memory_space<vmem>>, vector<1x128xf32>
    %mul3A_229 = vector.broadcast %get3A_228 : vector<1x128xf32> to vector<32x128xf32>
    %mul3A_230 = arith.mulf %get3A_225, %mul3A_229 : vector<32x128xf32>
    %add3A_231 = arith.addf %add3A_222, %mul3A_230 : vector<32x128xf32>
    %get3A_232 = arith.constant 0 : index
    %get3A_233 = arith.constant 3328 : index
    %get3A_234 = vector.load %arg2[%get3A_232, %get3A_233] : memref<32x25600xf32, #tpu.memory_space<vmem>>, vector<32x128xf32>
    %get3A_235 = arith.constant 26 : index
    %get3A_236 = arith.constant 0 : index
    %get3A_237 = vector.load %arg1[%get3A_235, %get3A_236] : memref<200x128xf32, #tpu.memory_space<vmem>>, vector<1x128xf32>
    %mul3A_238 = vector.broadcast %get3A_237 : vector<1x128xf32> to vector<32x128xf32>
    %mul3A_239 = arith.mulf %get3A_234, %mul3A_238 : vector<32x128xf32>
    %add3A_240 = arith.addf %add3A_231, %mul3A_239 : vector<32x128xf32>
    %get3A_241 = arith.constant 0 : index
    %get3A_242 = arith.constant 3456 : index
    %get3A_243 = vector.load %arg2[%get3A_241, %get3A_242] : memref<32x25600xf32, #tpu.memory_space<vmem>>, vector<32x128xf32>
    %get3A_244 = arith.constant 27 : index
    %get3A_245 = arith.constant 0 : index
    %get3A_246 = vector.load %arg1[%get3A_244, %get3A_245] : memref<200x128xf32, #tpu.memory_space<vmem>>, vector<1x128xf32>
    %mul3A_247 = vector.broadcast %get3A_246 : vector<1x128xf32> to vector<32x128xf32>
    %mul3A_248 = arith.mulf %get3A_243, %mul3A_247 : vector<32x128xf32>
    %add3A_249 = arith.addf %add3A_240, %mul3A_248 : vector<32x128xf32>
    %get3A_250 = arith.constant 0 : index
    %get3A_251 = arith.constant 3584 : index
    %get3A_252 = vector.load %arg2[%get3A_250, %get3A_251] : memref<32x25600xf32, #tpu.memory_space<vmem>>, vector<32x128xf32>
    %get3A_253 = arith.constant 28 : index
    %get3A_254 = arith.constant 0 : index
    %get3A_255 = vector.load %arg1[%get3A_253, %get3A_254] : memref<200x128xf32, #tpu.memory_space<vmem>>, vector<1x128xf32>
    %mul3A_256 = vector.broadcast %get3A_255 : vector<1x128xf32> to vector<32x128xf32>
    %mul3A_257 = arith.mulf %get3A_252, %mul3A_256 : vector<32x128xf32>
    %add3A_258 = arith.addf %add3A_249, %mul3A_257 : vector<32x128xf32>
    %get3A_259 = arith.constant 0 : index
    %get3A_260 = arith.constant 3712 : index
    %get3A_261 = vector.load %arg2[%get3A_259, %get3A_260] : memref<32x25600xf32, #tpu.memory_space<vmem>>, vector<32x128xf32>
    %get3A_262 = arith.constant 29 : index
    %get3A_263 = arith.constant 0 : index
    %get3A_264 = vector.load %arg1[%get3A_262, %get3A_263] : memref<200x128xf32, #tpu.memory_space<vmem>>, vector<1x128xf32>
    %mul3A_265 = vector.broadcast %get3A_264 : vector<1x128xf32> to vector<32x128xf32>
    %mul3A_266 = arith.mulf %get3A_261, %mul3A_265 : vector<32x128xf32>
    %add3A_267 = arith.addf %add3A_258, %mul3A_266 : vector<32x128xf32>
    %get3A_268 = arith.constant 0 : index
    %get3A_269 = arith.constant 3840 : index
    %get3A_270 = vector.load %arg2[%get3A_268, %get3A_269] : memref<32x25600xf32, #tpu.memory_space<vmem>>, vector<32x128xf32>
    %get3A_271 = arith.constant 30 : index
    %get3A_272 = arith.constant 0 : index
    %get3A_273 = vector.load %arg1[%get3A_271, %get3A_272] : memref<200x128xf32, #tpu.memory_space<vmem>>, vector<1x128xf32>
    %mul3A_274 = vector.broadcast %get3A_273 : vector<1x128xf32> to vector<32x128xf32>
    %mul3A_275 = arith.mulf %get3A_270, %mul3A_274 : vector<32x128xf32>
    %add3A_276 = arith.addf %add3A_267, %mul3A_275 : vector<32x128xf32>
    %get3A_277 = arith.constant 0 : index
    %get3A_278 = arith.constant 3968 : index
    %get3A_279 = vector.load %arg2[%get3A_277, %get3A_278] : memref<32x25600xf32, #tpu.memory_space<vmem>>, vector<32x128xf32>
    %get3A_280 = arith.constant 31 : index
    %get3A_281 = arith.constant 0 : index
    %get3A_282 = vector.load %arg1[%get3A_280, %get3A_281] : memref<200x128xf32, #tpu.memory_space<vmem>>, vector<1x128xf32>
    %mul3A_283 = vector.broadcast %get3A_282 : vector<1x128xf32> to vector<32x128xf32>
    %mul3A_284 = arith.mulf %get3A_279, %mul3A_283 : vector<32x128xf32>
    %add3A_285 = arith.addf %add3A_276, %mul3A_284 : vector<32x128xf32>
    %get3A_286 = arith.constant 0 : index
    %get3A_287 = arith.constant 4096 : index
    %get3A_288 = vector.load %arg2[%get3A_286, %get3A_287] : memref<32x25600xf32, #tpu.memory_space<vmem>>, vector<32x128xf32>
    %get3A_289 = arith.constant 32 : index
    %get3A_290 = arith.constant 0 : index
    %get3A_291 = vector.load %arg1[%get3A_289, %get3A_290] : memref<200x128xf32, #tpu.memory_space<vmem>>, vector<1x128xf32>
    %mul3A_292 = vector.broadcast %get3A_291 : vector<1x128xf32> to vector<32x128xf32>
    %mul3A_293 = arith.mulf %get3A_288, %mul3A_292 : vector<32x128xf32>
    %add3A_294 = arith.addf %add3A_285, %mul3A_293 : vector<32x128xf32>
    %get3A_295 = arith.constant 0 : index
    %get3A_296 = arith.constant 4224 : index
    %get3A_297 = vector.load %arg2[%get3A_295, %get3A_296] : memref<32x25600xf32, #tpu.memory_space<vmem>>, vector<32x128xf32>
    %get3A_298 = arith.constant 33 : index
    %get3A_299 = arith.constant 0 : index
    %get3A_300 = vector.load %arg1[%get3A_298, %get3A_299] : memref<200x128xf32, #tpu.memory_space<vmem>>, vector<1x128xf32>
    %mul3A_301 = vector.broadcast %get3A_300 : vector<1x128xf32> to vector<32x128xf32>
    %mul3A_302 = arith.mulf %get3A_297, %mul3A_301 : vector<32x128xf32>
    %add3A_303 = arith.addf %add3A_294, %mul3A_302 : vector<32x128xf32>
    %get3A_304 = arith.constant 0 : index
    %get3A_305 = arith.constant 4352 : index
    %get3A_306 = vector.load %arg2[%get3A_304, %get3A_305] : memref<32x25600xf32, #tpu.memory_space<vmem>>, vector<32x128xf32>
    %get3A_307 = arith.constant 34 : index
    %get3A_308 = arith.constant 0 : index
    %get3A_309 = vector.load %arg1[%get3A_307, %get3A_308] : memref<200x128xf32, #tpu.memory_space<vmem>>, vector<1x128xf32>
    %mul3A_310 = vector.broadcast %get3A_309 : vector<1x128xf32> to vector<32x128xf32>
    %mul3A_311 = arith.mulf %get3A_306, %mul3A_310 : vector<32x128xf32>
    %add3A_312 = arith.addf %add3A_303, %mul3A_311 : vector<32x128xf32>
    %get3A_313 = arith.constant 0 : index
    %get3A_314 = arith.constant 4480 : index
    %get3A_315 = vector.load %arg2[%get3A_313, %get3A_314] : memref<32x25600xf32, #tpu.memory_space<vmem>>, vector<32x128xf32>
    %get3A_316 = arith.constant 35 : index
    %get3A_317 = arith.constant 0 : index
    %get3A_318 = vector.load %arg1[%get3A_316, %get3A_317] : memref<200x128xf32, #tpu.memory_space<vmem>>, vector<1x128xf32>
    %mul3A_319 = vector.broadcast %get3A_318 : vector<1x128xf32> to vector<32x128xf32>
    %mul3A_320 = arith.mulf %get3A_315, %mul3A_319 : vector<32x128xf32>
    %add3A_321 = arith.addf %add3A_312, %mul3A_320 : vector<32x128xf32>
    %get3A_322 = arith.constant 0 : index
    %get3A_323 = arith.constant 4608 : index
    %get3A_324 = vector.load %arg2[%get3A_322, %get3A_323] : memref<32x25600xf32, #tpu.memory_space<vmem>>, vector<32x128xf32>
    %get3A_325 = arith.constant 36 : index
    %get3A_326 = arith.constant 0 : index
    %get3A_327 = vector.load %arg1[%get3A_325, %get3A_326] : memref<200x128xf32, #tpu.memory_space<vmem>>, vector<1x128xf32>
    %mul3A_328 = vector.broadcast %get3A_327 : vector<1x128xf32> to vector<32x128xf32>
    %mul3A_329 = arith.mulf %get3A_324, %mul3A_328 : vector<32x128xf32>
    %add3A_330 = arith.addf %add3A_321, %mul3A_329 : vector<32x128xf32>
    %get3A_331 = arith.constant 0 : index
    %get3A_332 = arith.constant 4736 : index
    %get3A_333 = vector.load %arg2[%get3A_331, %get3A_332] : memref<32x25600xf32, #tpu.memory_space<vmem>>, vector<32x128xf32>
    %get3A_334 = arith.constant 37 : index
    %get3A_335 = arith.constant 0 : index
    %get3A_336 = vector.load %arg1[%get3A_334, %get3A_335] : memref<200x128xf32, #tpu.memory_space<vmem>>, vector<1x128xf32>
    %mul3A_337 = vector.broadcast %get3A_336 : vector<1x128xf32> to vector<32x128xf32>
    %mul3A_338 = arith.mulf %get3A_333, %mul3A_337 : vector<32x128xf32>
    %add3A_339 = arith.addf %add3A_330, %mul3A_338 : vector<32x128xf32>
    %get3A_340 = arith.constant 0 : index
    %get3A_341 = arith.constant 4864 : index
    %get3A_342 = vector.load %arg2[%get3A_340, %get3A_341] : memref<32x25600xf32, #tpu.memory_space<vmem>>, vector<32x128xf32>
    %get3A_343 = arith.constant 38 : index
    %get3A_344 = arith.constant 0 : index
    %get3A_345 = vector.load %arg1[%get3A_343, %get3A_344] : memref<200x128xf32, #tpu.memory_space<vmem>>, vector<1x128xf32>
    %mul3A_346 = vector.broadcast %get3A_345 : vector<1x128xf32> to vector<32x128xf32>
    %mul3A_347 = arith.mulf %get3A_342, %mul3A_346 : vector<32x128xf32>
    %add3A_348 = arith.addf %add3A_339, %mul3A_347 : vector<32x128xf32>
    %get3A_349 = arith.constant 0 : index
    %get3A_350 = arith.constant 4992 : index
    %get3A_351 = vector.load %arg2[%get3A_349, %get3A_350] : memref<32x25600xf32, #tpu.memory_space<vmem>>, vector<32x128xf32>
    %get3A_352 = arith.constant 39 : index
    %get3A_353 = arith.constant 0 : index
    %get3A_354 = vector.load %arg1[%get3A_352, %get3A_353] : memref<200x128xf32, #tpu.memory_space<vmem>>, vector<1x128xf32>
    %mul3A_355 = vector.broadcast %get3A_354 : vector<1x128xf32> to vector<32x128xf32>
    %mul3A_356 = arith.mulf %get3A_351, %mul3A_355 : vector<32x128xf32>
    %add3A_357 = arith.addf %add3A_348, %mul3A_356 : vector<32x128xf32>
    %get3A_358 = arith.constant 0 : index
    %get3A_359 = arith.constant 5120 : index
    %get3A_360 = vector.load %arg2[%get3A_358, %get3A_359] : memref<32x25600xf32, #tpu.memory_space<vmem>>, vector<32x128xf32>
    %get3A_361 = arith.constant 40 : index
    %get3A_362 = arith.constant 0 : index
    %get3A_363 = vector.load %arg1[%get3A_361, %get3A_362] : memref<200x128xf32, #tpu.memory_space<vmem>>, vector<1x128xf32>
    %mul3A_364 = vector.broadcast %get3A_363 : vector<1x128xf32> to vector<32x128xf32>
    %mul3A_365 = arith.mulf %get3A_360, %mul3A_364 : vector<32x128xf32>
    %add3A_366 = arith.addf %add3A_357, %mul3A_365 : vector<32x128xf32>
    %get3A_367 = arith.constant 0 : index
    %get3A_368 = arith.constant 5248 : index
    %get3A_369 = vector.load %arg2[%get3A_367, %get3A_368] : memref<32x25600xf32, #tpu.memory_space<vmem>>, vector<32x128xf32>
    %get3A_370 = arith.constant 41 : index
    %get3A_371 = arith.constant 0 : index
    %get3A_372 = vector.load %arg1[%get3A_370, %get3A_371] : memref<200x128xf32, #tpu.memory_space<vmem>>, vector<1x128xf32>
    %mul3A_373 = vector.broadcast %get3A_372 : vector<1x128xf32> to vector<32x128xf32>
    %mul3A_374 = arith.mulf %get3A_369, %mul3A_373 : vector<32x128xf32>
    %add3A_375 = arith.addf %add3A_366, %mul3A_374 : vector<32x128xf32>
    %get3A_376 = arith.constant 0 : index
    %get3A_377 = arith.constant 5376 : index
    %get3A_378 = vector.load %arg2[%get3A_376, %get3A_377] : memref<32x25600xf32, #tpu.memory_space<vmem>>, vector<32x128xf32>
    %get3A_379 = arith.constant 42 : index
    %get3A_380 = arith.constant 0 : index
    %get3A_381 = vector.load %arg1[%get3A_379, %get3A_380] : memref<200x128xf32, #tpu.memory_space<vmem>>, vector<1x128xf32>
    %mul3A_382 = vector.broadcast %get3A_381 : vector<1x128xf32> to vector<32x128xf32>
    %mul3A_383 = arith.mulf %get3A_378, %mul3A_382 : vector<32x128xf32>
    %add3A_384 = arith.addf %add3A_375, %mul3A_383 : vector<32x128xf32>
    %get3A_385 = arith.constant 0 : index
    %get3A_386 = arith.constant 5504 : index
    %get3A_387 = vector.load %arg2[%get3A_385, %get3A_386] : memref<32x25600xf32, #tpu.memory_space<vmem>>, vector<32x128xf32>
    %get3A_388 = arith.constant 43 : index
    %get3A_389 = arith.constant 0 : index
    %get3A_390 = vector.load %arg1[%get3A_388, %get3A_389] : memref<200x128xf32, #tpu.memory_space<vmem>>, vector<1x128xf32>
    %mul3A_391 = vector.broadcast %get3A_390 : vector<1x128xf32> to vector<32x128xf32>
    %mul3A_392 = arith.mulf %get3A_387, %mul3A_391 : vector<32x128xf32>
    %add3A_393 = arith.addf %add3A_384, %mul3A_392 : vector<32x128xf32>
    %get3A_394 = arith.constant 0 : index
    %get3A_395 = arith.constant 5632 : index
    %get3A_396 = vector.load %arg2[%get3A_394, %get3A_395] : memref<32x25600xf32, #tpu.memory_space<vmem>>, vector<32x128xf32>
    %get3A_397 = arith.constant 44 : index
    %get3A_398 = arith.constant 0 : index
    %get3A_399 = vector.load %arg1[%get3A_397, %get3A_398] : memref<200x128xf32, #tpu.memory_space<vmem>>, vector<1x128xf32>
    %mul3A_400 = vector.broadcast %get3A_399 : vector<1x128xf32> to vector<32x128xf32>
    %mul3A_401 = arith.mulf %get3A_396, %mul3A_400 : vector<32x128xf32>
    %add3A_402 = arith.addf %add3A_393, %mul3A_401 : vector<32x128xf32>
    %get3A_403 = arith.constant 0 : index
    %get3A_404 = arith.constant 5760 : index
    %get3A_405 = vector.load %arg2[%get3A_403, %get3A_404] : memref<32x25600xf32, #tpu.memory_space<vmem>>, vector<32x128xf32>
    %get3A_406 = arith.constant 45 : index
    %get3A_407 = arith.constant 0 : index
    %get3A_408 = vector.load %arg1[%get3A_406, %get3A_407] : memref<200x128xf32, #tpu.memory_space<vmem>>, vector<1x128xf32>
    %mul3A_409 = vector.broadcast %get3A_408 : vector<1x128xf32> to vector<32x128xf32>
    %mul3A_410 = arith.mulf %get3A_405, %mul3A_409 : vector<32x128xf32>
    %add3A_411 = arith.addf %add3A_402, %mul3A_410 : vector<32x128xf32>
    %get3A_412 = arith.constant 0 : index
    %get3A_413 = arith.constant 5888 : index
    %get3A_414 = vector.load %arg2[%get3A_412, %get3A_413] : memref<32x25600xf32, #tpu.memory_space<vmem>>, vector<32x128xf32>
    %get3A_415 = arith.constant 46 : index
    %get3A_416 = arith.constant 0 : index
    %get3A_417 = vector.load %arg1[%get3A_415, %get3A_416] : memref<200x128xf32, #tpu.memory_space<vmem>>, vector<1x128xf32>
    %mul3A_418 = vector.broadcast %get3A_417 : vector<1x128xf32> to vector<32x128xf32>
    %mul3A_419 = arith.mulf %get3A_414, %mul3A_418 : vector<32x128xf32>
    %add3A_420 = arith.addf %add3A_411, %mul3A_419 : vector<32x128xf32>
    %get3A_421 = arith.constant 0 : index
    %get3A_422 = arith.constant 6016 : index
    %get3A_423 = vector.load %arg2[%get3A_421, %get3A_422] : memref<32x25600xf32, #tpu.memory_space<vmem>>, vector<32x128xf32>
    %get3A_424 = arith.constant 47 : index
    %get3A_425 = arith.constant 0 : index
    %get3A_426 = vector.load %arg1[%get3A_424, %get3A_425] : memref<200x128xf32, #tpu.memory_space<vmem>>, vector<1x128xf32>
    %mul3A_427 = vector.broadcast %get3A_426 : vector<1x128xf32> to vector<32x128xf32>
    %mul3A_428 = arith.mulf %get3A_423, %mul3A_427 : vector<32x128xf32>
    %add3A_429 = arith.addf %add3A_420, %mul3A_428 : vector<32x128xf32>
    %get3A_430 = arith.constant 0 : index
    %get3A_431 = arith.constant 6144 : index
    %get3A_432 = vector.load %arg2[%get3A_430, %get3A_431] : memref<32x25600xf32, #tpu.memory_space<vmem>>, vector<32x128xf32>
    %get3A_433 = arith.constant 48 : index
    %get3A_434 = arith.constant 0 : index
    %get3A_435 = vector.load %arg1[%get3A_433, %get3A_434] : memref<200x128xf32, #tpu.memory_space<vmem>>, vector<1x128xf32>
    %mul3A_436 = vector.broadcast %get3A_435 : vector<1x128xf32> to vector<32x128xf32>
    %mul3A_437 = arith.mulf %get3A_432, %mul3A_436 : vector<32x128xf32>
    %add3A_438 = arith.addf %add3A_429, %mul3A_437 : vector<32x128xf32>
    %get3A_439 = arith.constant 0 : index
    %get3A_440 = arith.constant 6272 : index
    %get3A_441 = vector.load %arg2[%get3A_439, %get3A_440] : memref<32x25600xf32, #tpu.memory_space<vmem>>, vector<32x128xf32>
    %get3A_442 = arith.constant 49 : index
    %get3A_443 = arith.constant 0 : index
    %get3A_444 = vector.load %arg1[%get3A_442, %get3A_443] : memref<200x128xf32, #tpu.memory_space<vmem>>, vector<1x128xf32>
    %mul3A_445 = vector.broadcast %get3A_444 : vector<1x128xf32> to vector<32x128xf32>
    %mul3A_446 = arith.mulf %get3A_441, %mul3A_445 : vector<32x128xf32>
    %add3A_447 = arith.addf %add3A_438, %mul3A_446 : vector<32x128xf32>
    %get3A_448 = arith.constant 0 : index
    %get3A_449 = arith.constant 6400 : index
    %get3A_450 = vector.load %arg2[%get3A_448, %get3A_449] : memref<32x25600xf32, #tpu.memory_space<vmem>>, vector<32x128xf32>
    %get3A_451 = arith.constant 50 : index
    %get3A_452 = arith.constant 0 : index
    %get3A_453 = vector.load %arg1[%get3A_451, %get3A_452] : memref<200x128xf32, #tpu.memory_space<vmem>>, vector<1x128xf32>
    %mul3A_454 = vector.broadcast %get3A_453 : vector<1x128xf32> to vector<32x128xf32>
    %mul3A_455 = arith.mulf %get3A_450, %mul3A_454 : vector<32x128xf32>
    %add3A_456 = arith.addf %add3A_447, %mul3A_455 : vector<32x128xf32>
    %get3A_457 = arith.constant 0 : index
    %get3A_458 = arith.constant 6528 : index
    %get3A_459 = vector.load %arg2[%get3A_457, %get3A_458] : memref<32x25600xf32, #tpu.memory_space<vmem>>, vector<32x128xf32>
    %get3A_460 = arith.constant 51 : index
    %get3A_461 = arith.constant 0 : index
    %get3A_462 = vector.load %arg1[%get3A_460, %get3A_461] : memref<200x128xf32, #tpu.memory_space<vmem>>, vector<1x128xf32>
    %mul3A_463 = vector.broadcast %get3A_462 : vector<1x128xf32> to vector<32x128xf32>
    %mul3A_464 = arith.mulf %get3A_459, %mul3A_463 : vector<32x128xf32>
    %add3A_465 = arith.addf %add3A_456, %mul3A_464 : vector<32x128xf32>
    %get3A_466 = arith.constant 0 : index
    %get3A_467 = arith.constant 6656 : index
    %get3A_468 = vector.load %arg2[%get3A_466, %get3A_467] : memref<32x25600xf32, #tpu.memory_space<vmem>>, vector<32x128xf32>
    %get3A_469 = arith.constant 52 : index
    %get3A_470 = arith.constant 0 : index
    %get3A_471 = vector.load %arg1[%get3A_469, %get3A_470] : memref<200x128xf32, #tpu.memory_space<vmem>>, vector<1x128xf32>
    %mul3A_472 = vector.broadcast %get3A_471 : vector<1x128xf32> to vector<32x128xf32>
    %mul3A_473 = arith.mulf %get3A_468, %mul3A_472 : vector<32x128xf32>
    %add3A_474 = arith.addf %add3A_465, %mul3A_473 : vector<32x128xf32>
    %get3A_475 = arith.constant 0 : index
    %get3A_476 = arith.constant 6784 : index
    %get3A_477 = vector.load %arg2[%get3A_475, %get3A_476] : memref<32x25600xf32, #tpu.memory_space<vmem>>, vector<32x128xf32>
    %get3A_478 = arith.constant 53 : index
    %get3A_479 = arith.constant 0 : index
    %get3A_480 = vector.load %arg1[%get3A_478, %get3A_479] : memref<200x128xf32, #tpu.memory_space<vmem>>, vector<1x128xf32>
    %mul3A_481 = vector.broadcast %get3A_480 : vector<1x128xf32> to vector<32x128xf32>
    %mul3A_482 = arith.mulf %get3A_477, %mul3A_481 : vector<32x128xf32>
    %add3A_483 = arith.addf %add3A_474, %mul3A_482 : vector<32x128xf32>
    %get3A_484 = arith.constant 0 : index
    %get3A_485 = arith.constant 6912 : index
    %get3A_486 = vector.load %arg2[%get3A_484, %get3A_485] : memref<32x25600xf32, #tpu.memory_space<vmem>>, vector<32x128xf32>
    %get3A_487 = arith.constant 54 : index
    %get3A_488 = arith.constant 0 : index
    %get3A_489 = vector.load %arg1[%get3A_487, %get3A_488] : memref<200x128xf32, #tpu.memory_space<vmem>>, vector<1x128xf32>
    %mul3A_490 = vector.broadcast %get3A_489 : vector<1x128xf32> to vector<32x128xf32>
    %mul3A_491 = arith.mulf %get3A_486, %mul3A_490 : vector<32x128xf32>
    %add3A_492 = arith.addf %add3A_483, %mul3A_491 : vector<32x128xf32>
    %get3A_493 = arith.constant 0 : index
    %get3A_494 = arith.constant 7040 : index
    %get3A_495 = vector.load %arg2[%get3A_493, %get3A_494] : memref<32x25600xf32, #tpu.memory_space<vmem>>, vector<32x128xf32>
    %get3A_496 = arith.constant 55 : index
    %get3A_497 = arith.constant 0 : index
    %get3A_498 = vector.load %arg1[%get3A_496, %get3A_497] : memref<200x128xf32, #tpu.memory_space<vmem>>, vector<1x128xf32>
    %mul3A_499 = vector.broadcast %get3A_498 : vector<1x128xf32> to vector<32x128xf32>
    %mul3A_500 = arith.mulf %get3A_495, %mul3A_499 : vector<32x128xf32>
    %add3A_501 = arith.addf %add3A_492, %mul3A_500 : vector<32x128xf32>
    %get3A_502 = arith.constant 0 : index
    %get3A_503 = arith.constant 7168 : index
    %get3A_504 = vector.load %arg2[%get3A_502, %get3A_503] : memref<32x25600xf32, #tpu.memory_space<vmem>>, vector<32x128xf32>
    %get3A_505 = arith.constant 56 : index
    %get3A_506 = arith.constant 0 : index
    %get3A_507 = vector.load %arg1[%get3A_505, %get3A_506] : memref<200x128xf32, #tpu.memory_space<vmem>>, vector<1x128xf32>
    %mul3A_508 = vector.broadcast %get3A_507 : vector<1x128xf32> to vector<32x128xf32>
    %mul3A_509 = arith.mulf %get3A_504, %mul3A_508 : vector<32x128xf32>
    %add3A_510 = arith.addf %add3A_501, %mul3A_509 : vector<32x128xf32>
    %get3A_511 = arith.constant 0 : index
    %get3A_512 = arith.constant 7296 : index
    %get3A_513 = vector.load %arg2[%get3A_511, %get3A_512] : memref<32x25600xf32, #tpu.memory_space<vmem>>, vector<32x128xf32>
    %get3A_514 = arith.constant 57 : index
    %get3A_515 = arith.constant 0 : index
    %get3A_516 = vector.load %arg1[%get3A_514, %get3A_515] : memref<200x128xf32, #tpu.memory_space<vmem>>, vector<1x128xf32>
    %mul3A_517 = vector.broadcast %get3A_516 : vector<1x128xf32> to vector<32x128xf32>
    %mul3A_518 = arith.mulf %get3A_513, %mul3A_517 : vector<32x128xf32>
    %add3A_519 = arith.addf %add3A_510, %mul3A_518 : vector<32x128xf32>
    %get3A_520 = arith.constant 0 : index
    %get3A_521 = arith.constant 7424 : index
    %get3A_522 = vector.load %arg2[%get3A_520, %get3A_521] : memref<32x25600xf32, #tpu.memory_space<vmem>>, vector<32x128xf32>
    %get3A_523 = arith.constant 58 : index
    %get3A_524 = arith.constant 0 : index
    %get3A_525 = vector.load %arg1[%get3A_523, %get3A_524] : memref<200x128xf32, #tpu.memory_space<vmem>>, vector<1x128xf32>
    %mul3A_526 = vector.broadcast %get3A_525 : vector<1x128xf32> to vector<32x128xf32>
    %mul3A_527 = arith.mulf %get3A_522, %mul3A_526 : vector<32x128xf32>
    %add3A_528 = arith.addf %add3A_519, %mul3A_527 : vector<32x128xf32>
    %get3A_529 = arith.constant 0 : index
    %get3A_530 = arith.constant 7552 : index
    %get3A_531 = vector.load %arg2[%get3A_529, %get3A_530] : memref<32x25600xf32, #tpu.memory_space<vmem>>, vector<32x128xf32>
    %get3A_532 = arith.constant 59 : index
    %get3A_533 = arith.constant 0 : index
    %get3A_534 = vector.load %arg1[%get3A_532, %get3A_533] : memref<200x128xf32, #tpu.memory_space<vmem>>, vector<1x128xf32>
    %mul3A_535 = vector.broadcast %get3A_534 : vector<1x128xf32> to vector<32x128xf32>
    %mul3A_536 = arith.mulf %get3A_531, %mul3A_535 : vector<32x128xf32>
    %add3A_537 = arith.addf %add3A_528, %mul3A_536 : vector<32x128xf32>
    %get3A_538 = arith.constant 0 : index
    %get3A_539 = arith.constant 7680 : index
    %get3A_540 = vector.load %arg2[%get3A_538, %get3A_539] : memref<32x25600xf32, #tpu.memory_space<vmem>>, vector<32x128xf32>
    %get3A_541 = arith.constant 60 : index
    %get3A_542 = arith.constant 0 : index
    %get3A_543 = vector.load %arg1[%get3A_541, %get3A_542] : memref<200x128xf32, #tpu.memory_space<vmem>>, vector<1x128xf32>
    %mul3A_544 = vector.broadcast %get3A_543 : vector<1x128xf32> to vector<32x128xf32>
    %mul3A_545 = arith.mulf %get3A_540, %mul3A_544 : vector<32x128xf32>
    %add3A_546 = arith.addf %add3A_537, %mul3A_545 : vector<32x128xf32>
    %get3A_547 = arith.constant 0 : index
    %get3A_548 = arith.constant 7808 : index
    %get3A_549 = vector.load %arg2[%get3A_547, %get3A_548] : memref<32x25600xf32, #tpu.memory_space<vmem>>, vector<32x128xf32>
    %get3A_550 = arith.constant 61 : index
    %get3A_551 = arith.constant 0 : index
    %get3A_552 = vector.load %arg1[%get3A_550, %get3A_551] : memref<200x128xf32, #tpu.memory_space<vmem>>, vector<1x128xf32>
    %mul3A_553 = vector.broadcast %get3A_552 : vector<1x128xf32> to vector<32x128xf32>
    %mul3A_554 = arith.mulf %get3A_549, %mul3A_553 : vector<32x128xf32>
    %add3A_555 = arith.addf %add3A_546, %mul3A_554 : vector<32x128xf32>
    %get3A_556 = arith.constant 0 : index
    %get3A_557 = arith.constant 7936 : index
    %get3A_558 = vector.load %arg2[%get3A_556, %get3A_557] : memref<32x25600xf32, #tpu.memory_space<vmem>>, vector<32x128xf32>
    %get3A_559 = arith.constant 62 : index
    %get3A_560 = arith.constant 0 : index
    %get3A_561 = vector.load %arg1[%get3A_559, %get3A_560] : memref<200x128xf32, #tpu.memory_space<vmem>>, vector<1x128xf32>
    %mul3A_562 = vector.broadcast %get3A_561 : vector<1x128xf32> to vector<32x128xf32>
    %mul3A_563 = arith.mulf %get3A_558, %mul3A_562 : vector<32x128xf32>
    %add3A_564 = arith.addf %add3A_555, %mul3A_563 : vector<32x128xf32>
    %get3A_565 = arith.constant 0 : index
    %get3A_566 = arith.constant 8064 : index
    %get3A_567 = vector.load %arg2[%get3A_565, %get3A_566] : memref<32x25600xf32, #tpu.memory_space<vmem>>, vector<32x128xf32>
    %get3A_568 = arith.constant 63 : index
    %get3A_569 = arith.constant 0 : index
    %get3A_570 = vector.load %arg1[%get3A_568, %get3A_569] : memref<200x128xf32, #tpu.memory_space<vmem>>, vector<1x128xf32>
    %mul3A_571 = vector.broadcast %get3A_570 : vector<1x128xf32> to vector<32x128xf32>
    %mul3A_572 = arith.mulf %get3A_567, %mul3A_571 : vector<32x128xf32>
    %add3A_573 = arith.addf %add3A_564, %mul3A_572 : vector<32x128xf32>
    %get3A_574 = arith.constant 0 : index
    %get3A_575 = arith.constant 8192 : index
    %get3A_576 = vector.load %arg2[%get3A_574, %get3A_575] : memref<32x25600xf32, #tpu.memory_space<vmem>>, vector<32x128xf32>
    %get3A_577 = arith.constant 64 : index
    %get3A_578 = arith.constant 0 : index
    %get3A_579 = vector.load %arg1[%get3A_577, %get3A_578] : memref<200x128xf32, #tpu.memory_space<vmem>>, vector<1x128xf32>
    %mul3A_580 = vector.broadcast %get3A_579 : vector<1x128xf32> to vector<32x128xf32>
    %mul3A_581 = arith.mulf %get3A_576, %mul3A_580 : vector<32x128xf32>
    %add3A_582 = arith.addf %add3A_573, %mul3A_581 : vector<32x128xf32>
    %get3A_583 = arith.constant 0 : index
    %get3A_584 = arith.constant 8320 : index
    %get3A_585 = vector.load %arg2[%get3A_583, %get3A_584] : memref<32x25600xf32, #tpu.memory_space<vmem>>, vector<32x128xf32>
    %get3A_586 = arith.constant 65 : index
    %get3A_587 = arith.constant 0 : index
    %get3A_588 = vector.load %arg1[%get3A_586, %get3A_587] : memref<200x128xf32, #tpu.memory_space<vmem>>, vector<1x128xf32>
    %mul3A_589 = vector.broadcast %get3A_588 : vector<1x128xf32> to vector<32x128xf32>
    %mul3A_590 = arith.mulf %get3A_585, %mul3A_589 : vector<32x128xf32>
    %add3A_591 = arith.addf %add3A_582, %mul3A_590 : vector<32x128xf32>
    %get3A_592 = arith.constant 0 : index
    %get3A_593 = arith.constant 8448 : index
    %get3A_594 = vector.load %arg2[%get3A_592, %get3A_593] : memref<32x25600xf32, #tpu.memory_space<vmem>>, vector<32x128xf32>
    %get3A_595 = arith.constant 66 : index
    %get3A_596 = arith.constant 0 : index
    %get3A_597 = vector.load %arg1[%get3A_595, %get3A_596] : memref<200x128xf32, #tpu.memory_space<vmem>>, vector<1x128xf32>
    %mul3A_598 = vector.broadcast %get3A_597 : vector<1x128xf32> to vector<32x128xf32>
    %mul3A_599 = arith.mulf %get3A_594, %mul3A_598 : vector<32x128xf32>
    %add3A_600 = arith.addf %add3A_591, %mul3A_599 : vector<32x128xf32>
    %get3A_601 = arith.constant 0 : index
    %get3A_602 = arith.constant 8576 : index
    %get3A_603 = vector.load %arg2[%get3A_601, %get3A_602] : memref<32x25600xf32, #tpu.memory_space<vmem>>, vector<32x128xf32>
    %get3A_604 = arith.constant 67 : index
    %get3A_605 = arith.constant 0 : index
    %get3A_606 = vector.load %arg1[%get3A_604, %get3A_605] : memref<200x128xf32, #tpu.memory_space<vmem>>, vector<1x128xf32>
    %mul3A_607 = vector.broadcast %get3A_606 : vector<1x128xf32> to vector<32x128xf32>
    %mul3A_608 = arith.mulf %get3A_603, %mul3A_607 : vector<32x128xf32>
    %add3A_609 = arith.addf %add3A_600, %mul3A_608 : vector<32x128xf32>
    %get3A_610 = arith.constant 0 : index
    %get3A_611 = arith.constant 8704 : index
    %get3A_612 = vector.load %arg2[%get3A_610, %get3A_611] : memref<32x25600xf32, #tpu.memory_space<vmem>>, vector<32x128xf32>
    %get3A_613 = arith.constant 68 : index
    %get3A_614 = arith.constant 0 : index
    %get3A_615 = vector.load %arg1[%get3A_613, %get3A_614] : memref<200x128xf32, #tpu.memory_space<vmem>>, vector<1x128xf32>
    %mul3A_616 = vector.broadcast %get3A_615 : vector<1x128xf32> to vector<32x128xf32>
    %mul3A_617 = arith.mulf %get3A_612, %mul3A_616 : vector<32x128xf32>
    %add3A_618 = arith.addf %add3A_609, %mul3A_617 : vector<32x128xf32>
    %get3A_619 = arith.constant 0 : index
    %get3A_620 = arith.constant 8832 : index
    %get3A_621 = vector.load %arg2[%get3A_619, %get3A_620] : memref<32x25600xf32, #tpu.memory_space<vmem>>, vector<32x128xf32>
    %get3A_622 = arith.constant 69 : index
    %get3A_623 = arith.constant 0 : index
    %get3A_624 = vector.load %arg1[%get3A_622, %get3A_623] : memref<200x128xf32, #tpu.memory_space<vmem>>, vector<1x128xf32>
    %mul3A_625 = vector.broadcast %get3A_624 : vector<1x128xf32> to vector<32x128xf32>
    %mul3A_626 = arith.mulf %get3A_621, %mul3A_625 : vector<32x128xf32>
    %add3A_627 = arith.addf %add3A_618, %mul3A_626 : vector<32x128xf32>
    %get3A_628 = arith.constant 0 : index
    %get3A_629 = arith.constant 8960 : index
    %get3A_630 = vector.load %arg2[%get3A_628, %get3A_629] : memref<32x25600xf32, #tpu.memory_space<vmem>>, vector<32x128xf32>
    %get3A_631 = arith.constant 70 : index
    %get3A_632 = arith.constant 0 : index
    %get3A_633 = vector.load %arg1[%get3A_631, %get3A_632] : memref<200x128xf32, #tpu.memory_space<vmem>>, vector<1x128xf32>
    %mul3A_634 = vector.broadcast %get3A_633 : vector<1x128xf32> to vector<32x128xf32>
    %mul3A_635 = arith.mulf %get3A_630, %mul3A_634 : vector<32x128xf32>
    %add3A_636 = arith.addf %add3A_627, %mul3A_635 : vector<32x128xf32>
    %get3A_637 = arith.constant 0 : index
    %get3A_638 = arith.constant 9088 : index
    %get3A_639 = vector.load %arg2[%get3A_637, %get3A_638] : memref<32x25600xf32, #tpu.memory_space<vmem>>, vector<32x128xf32>
    %get3A_640 = arith.constant 71 : index
    %get3A_641 = arith.constant 0 : index
    %get3A_642 = vector.load %arg1[%get3A_640, %get3A_641] : memref<200x128xf32, #tpu.memory_space<vmem>>, vector<1x128xf32>
    %mul3A_643 = vector.broadcast %get3A_642 : vector<1x128xf32> to vector<32x128xf32>
    %mul3A_644 = arith.mulf %get3A_639, %mul3A_643 : vector<32x128xf32>
    %add3A_645 = arith.addf %add3A_636, %mul3A_644 : vector<32x128xf32>
    %get3A_646 = arith.constant 0 : index
    %get3A_647 = arith.constant 9216 : index
    %get3A_648 = vector.load %arg2[%get3A_646, %get3A_647] : memref<32x25600xf32, #tpu.memory_space<vmem>>, vector<32x128xf32>
    %get3A_649 = arith.constant 72 : index
    %get3A_650 = arith.constant 0 : index
    %get3A_651 = vector.load %arg1[%get3A_649, %get3A_650] : memref<200x128xf32, #tpu.memory_space<vmem>>, vector<1x128xf32>
    %mul3A_652 = vector.broadcast %get3A_651 : vector<1x128xf32> to vector<32x128xf32>
    %mul3A_653 = arith.mulf %get3A_648, %mul3A_652 : vector<32x128xf32>
    %add3A_654 = arith.addf %add3A_645, %mul3A_653 : vector<32x128xf32>
    %get3A_655 = arith.constant 0 : index
    %get3A_656 = arith.constant 9344 : index
    %get3A_657 = vector.load %arg2[%get3A_655, %get3A_656] : memref<32x25600xf32, #tpu.memory_space<vmem>>, vector<32x128xf32>
    %get3A_658 = arith.constant 73 : index
    %get3A_659 = arith.constant 0 : index
    %get3A_660 = vector.load %arg1[%get3A_658, %get3A_659] : memref<200x128xf32, #tpu.memory_space<vmem>>, vector<1x128xf32>
    %mul3A_661 = vector.broadcast %get3A_660 : vector<1x128xf32> to vector<32x128xf32>
    %mul3A_662 = arith.mulf %get3A_657, %mul3A_661 : vector<32x128xf32>
    %add3A_663 = arith.addf %add3A_654, %mul3A_662 : vector<32x128xf32>
    %get3A_664 = arith.constant 0 : index
    %get3A_665 = arith.constant 9472 : index
    %get3A_666 = vector.load %arg2[%get3A_664, %get3A_665] : memref<32x25600xf32, #tpu.memory_space<vmem>>, vector<32x128xf32>
    %get3A_667 = arith.constant 74 : index
    %get3A_668 = arith.constant 0 : index
    %get3A_669 = vector.load %arg1[%get3A_667, %get3A_668] : memref<200x128xf32, #tpu.memory_space<vmem>>, vector<1x128xf32>
    %mul3A_670 = vector.broadcast %get3A_669 : vector<1x128xf32> to vector<32x128xf32>
    %mul3A_671 = arith.mulf %get3A_666, %mul3A_670 : vector<32x128xf32>
    %add3A_672 = arith.addf %add3A_663, %mul3A_671 : vector<32x128xf32>
    %get3A_673 = arith.constant 0 : index
    %get3A_674 = arith.constant 9600 : index
    %get3A_675 = vector.load %arg2[%get3A_673, %get3A_674] : memref<32x25600xf32, #tpu.memory_space<vmem>>, vector<32x128xf32>
    %get3A_676 = arith.constant 75 : index
    %get3A_677 = arith.constant 0 : index
    %get3A_678 = vector.load %arg1[%get3A_676, %get3A_677] : memref<200x128xf32, #tpu.memory_space<vmem>>, vector<1x128xf32>
    %mul3A_679 = vector.broadcast %get3A_678 : vector<1x128xf32> to vector<32x128xf32>
    %mul3A_680 = arith.mulf %get3A_675, %mul3A_679 : vector<32x128xf32>
    %add3A_681 = arith.addf %add3A_672, %mul3A_680 : vector<32x128xf32>
    %get3A_682 = arith.constant 0 : index
    %get3A_683 = arith.constant 9728 : index
    %get3A_684 = vector.load %arg2[%get3A_682, %get3A_683] : memref<32x25600xf32, #tpu.memory_space<vmem>>, vector<32x128xf32>
    %get3A_685 = arith.constant 76 : index
    %get3A_686 = arith.constant 0 : index
    %get3A_687 = vector.load %arg1[%get3A_685, %get3A_686] : memref<200x128xf32, #tpu.memory_space<vmem>>, vector<1x128xf32>
    %mul3A_688 = vector.broadcast %get3A_687 : vector<1x128xf32> to vector<32x128xf32>
    %mul3A_689 = arith.mulf %get3A_684, %mul3A_688 : vector<32x128xf32>
    %add3A_690 = arith.addf %add3A_681, %mul3A_689 : vector<32x128xf32>
    %get3A_691 = arith.constant 0 : index
    %get3A_692 = arith.constant 9856 : index
    %get3A_693 = vector.load %arg2[%get3A_691, %get3A_692] : memref<32x25600xf32, #tpu.memory_space<vmem>>, vector<32x128xf32>
    %get3A_694 = arith.constant 77 : index
    %get3A_695 = arith.constant 0 : index
    %get3A_696 = vector.load %arg1[%get3A_694, %get3A_695] : memref<200x128xf32, #tpu.memory_space<vmem>>, vector<1x128xf32>
    %mul3A_697 = vector.broadcast %get3A_696 : vector<1x128xf32> to vector<32x128xf32>
    %mul3A_698 = arith.mulf %get3A_693, %mul3A_697 : vector<32x128xf32>
    %add3A_699 = arith.addf %add3A_690, %mul3A_698 : vector<32x128xf32>
    %get3A_700 = arith.constant 0 : index
    %get3A_701 = arith.constant 9984 : index
    %get3A_702 = vector.load %arg2[%get3A_700, %get3A_701] : memref<32x25600xf32, #tpu.memory_space<vmem>>, vector<32x128xf32>
    %get3A_703 = arith.constant 78 : index
    %get3A_704 = arith.constant 0 : index
    %get3A_705 = vector.load %arg1[%get3A_703, %get3A_704] : memref<200x128xf32, #tpu.memory_space<vmem>>, vector<1x128xf32>
    %mul3A_706 = vector.broadcast %get3A_705 : vector<1x128xf32> to vector<32x128xf32>
    %mul3A_707 = arith.mulf %get3A_702, %mul3A_706 : vector<32x128xf32>
    %add3A_708 = arith.addf %add3A_699, %mul3A_707 : vector<32x128xf32>
    %get3A_709 = arith.constant 0 : index
    %get3A_710 = arith.constant 10112 : index
    %get3A_711 = vector.load %arg2[%get3A_709, %get3A_710] : memref<32x25600xf32, #tpu.memory_space<vmem>>, vector<32x128xf32>
    %get3A_712 = arith.constant 79 : index
    %get3A_713 = arith.constant 0 : index
    %get3A_714 = vector.load %arg1[%get3A_712, %get3A_713] : memref<200x128xf32, #tpu.memory_space<vmem>>, vector<1x128xf32>
    %mul3A_715 = vector.broadcast %get3A_714 : vector<1x128xf32> to vector<32x128xf32>
    %mul3A_716 = arith.mulf %get3A_711, %mul3A_715 : vector<32x128xf32>
    %add3A_717 = arith.addf %add3A_708, %mul3A_716 : vector<32x128xf32>
    %get3A_718 = arith.constant 0 : index
    %get3A_719 = arith.constant 10240 : index
    %get3A_720 = vector.load %arg2[%get3A_718, %get3A_719] : memref<32x25600xf32, #tpu.memory_space<vmem>>, vector<32x128xf32>
    %get3A_721 = arith.constant 80 : index
    %get3A_722 = arith.constant 0 : index
    %get3A_723 = vector.load %arg1[%get3A_721, %get3A_722] : memref<200x128xf32, #tpu.memory_space<vmem>>, vector<1x128xf32>
    %mul3A_724 = vector.broadcast %get3A_723 : vector<1x128xf32> to vector<32x128xf32>
    %mul3A_725 = arith.mulf %get3A_720, %mul3A_724 : vector<32x128xf32>
    %add3A_726 = arith.addf %add3A_717, %mul3A_725 : vector<32x128xf32>
    %get3A_727 = arith.constant 0 : index
    %get3A_728 = arith.constant 10368 : index
    %get3A_729 = vector.load %arg2[%get3A_727, %get3A_728] : memref<32x25600xf32, #tpu.memory_space<vmem>>, vector<32x128xf32>
    %get3A_730 = arith.constant 81 : index
    %get3A_731 = arith.constant 0 : index
    %get3A_732 = vector.load %arg1[%get3A_730, %get3A_731] : memref<200x128xf32, #tpu.memory_space<vmem>>, vector<1x128xf32>
    %mul3A_733 = vector.broadcast %get3A_732 : vector<1x128xf32> to vector<32x128xf32>
    %mul3A_734 = arith.mulf %get3A_729, %mul3A_733 : vector<32x128xf32>
    %add3A_735 = arith.addf %add3A_726, %mul3A_734 : vector<32x128xf32>
    %get3A_736 = arith.constant 0 : index
    %get3A_737 = arith.constant 10496 : index
    %get3A_738 = vector.load %arg2[%get3A_736, %get3A_737] : memref<32x25600xf32, #tpu.memory_space<vmem>>, vector<32x128xf32>
    %get3A_739 = arith.constant 82 : index
    %get3A_740 = arith.constant 0 : index
    %get3A_741 = vector.load %arg1[%get3A_739, %get3A_740] : memref<200x128xf32, #tpu.memory_space<vmem>>, vector<1x128xf32>
    %mul3A_742 = vector.broadcast %get3A_741 : vector<1x128xf32> to vector<32x128xf32>
    %mul3A_743 = arith.mulf %get3A_738, %mul3A_742 : vector<32x128xf32>
    %add3A_744 = arith.addf %add3A_735, %mul3A_743 : vector<32x128xf32>
    %get3A_745 = arith.constant 0 : index
    %get3A_746 = arith.constant 10624 : index
    %get3A_747 = vector.load %arg2[%get3A_745, %get3A_746] : memref<32x25600xf32, #tpu.memory_space<vmem>>, vector<32x128xf32>
    %get3A_748 = arith.constant 83 : index
    %get3A_749 = arith.constant 0 : index
    %get3A_750 = vector.load %arg1[%get3A_748, %get3A_749] : memref<200x128xf32, #tpu.memory_space<vmem>>, vector<1x128xf32>
    %mul3A_751 = vector.broadcast %get3A_750 : vector<1x128xf32> to vector<32x128xf32>
    %mul3A_752 = arith.mulf %get3A_747, %mul3A_751 : vector<32x128xf32>
    %add3A_753 = arith.addf %add3A_744, %mul3A_752 : vector<32x128xf32>
    %get3A_754 = arith.constant 0 : index
    %get3A_755 = arith.constant 10752 : index
    %get3A_756 = vector.load %arg2[%get3A_754, %get3A_755] : memref<32x25600xf32, #tpu.memory_space<vmem>>, vector<32x128xf32>
    %get3A_757 = arith.constant 84 : index
    %get3A_758 = arith.constant 0 : index
    %get3A_759 = vector.load %arg1[%get3A_757, %get3A_758] : memref<200x128xf32, #tpu.memory_space<vmem>>, vector<1x128xf32>
    %mul3A_760 = vector.broadcast %get3A_759 : vector<1x128xf32> to vector<32x128xf32>
    %mul3A_761 = arith.mulf %get3A_756, %mul3A_760 : vector<32x128xf32>
    %add3A_762 = arith.addf %add3A_753, %mul3A_761 : vector<32x128xf32>
    %get3A_763 = arith.constant 0 : index
    %get3A_764 = arith.constant 10880 : index
    %get3A_765 = vector.load %arg2[%get3A_763, %get3A_764] : memref<32x25600xf32, #tpu.memory_space<vmem>>, vector<32x128xf32>
    %get3A_766 = arith.constant 85 : index
    %get3A_767 = arith.constant 0 : index
    %get3A_768 = vector.load %arg1[%get3A_766, %get3A_767] : memref<200x128xf32, #tpu.memory_space<vmem>>, vector<1x128xf32>
    %mul3A_769 = vector.broadcast %get3A_768 : vector<1x128xf32> to vector<32x128xf32>
    %mul3A_770 = arith.mulf %get3A_765, %mul3A_769 : vector<32x128xf32>
    %add3A_771 = arith.addf %add3A_762, %mul3A_770 : vector<32x128xf32>
    %get3A_772 = arith.constant 0 : index
    %get3A_773 = arith.constant 11008 : index
    %get3A_774 = vector.load %arg2[%get3A_772, %get3A_773] : memref<32x25600xf32, #tpu.memory_space<vmem>>, vector<32x128xf32>
    %get3A_775 = arith.constant 86 : index
    %get3A_776 = arith.constant 0 : index
    %get3A_777 = vector.load %arg1[%get3A_775, %get3A_776] : memref<200x128xf32, #tpu.memory_space<vmem>>, vector<1x128xf32>
    %mul3A_778 = vector.broadcast %get3A_777 : vector<1x128xf32> to vector<32x128xf32>
    %mul3A_779 = arith.mulf %get3A_774, %mul3A_778 : vector<32x128xf32>
    %add3A_780 = arith.addf %add3A_771, %mul3A_779 : vector<32x128xf32>
    %get3A_781 = arith.constant 0 : index
    %get3A_782 = arith.constant 11136 : index
    %get3A_783 = vector.load %arg2[%get3A_781, %get3A_782] : memref<32x25600xf32, #tpu.memory_space<vmem>>, vector<32x128xf32>
    %get3A_784 = arith.constant 87 : index
    %get3A_785 = arith.constant 0 : index
    %get3A_786 = vector.load %arg1[%get3A_784, %get3A_785] : memref<200x128xf32, #tpu.memory_space<vmem>>, vector<1x128xf32>
    %mul3A_787 = vector.broadcast %get3A_786 : vector<1x128xf32> to vector<32x128xf32>
    %mul3A_788 = arith.mulf %get3A_783, %mul3A_787 : vector<32x128xf32>
    %add3A_789 = arith.addf %add3A_780, %mul3A_788 : vector<32x128xf32>
    %get3A_790 = arith.constant 0 : index
    %get3A_791 = arith.constant 11264 : index
    %get3A_792 = vector.load %arg2[%get3A_790, %get3A_791] : memref<32x25600xf32, #tpu.memory_space<vmem>>, vector<32x128xf32>
    %get3A_793 = arith.constant 88 : index
    %get3A_794 = arith.constant 0 : index
    %get3A_795 = vector.load %arg1[%get3A_793, %get3A_794] : memref<200x128xf32, #tpu.memory_space<vmem>>, vector<1x128xf32>
    %mul3A_796 = vector.broadcast %get3A_795 : vector<1x128xf32> to vector<32x128xf32>
    %mul3A_797 = arith.mulf %get3A_792, %mul3A_796 : vector<32x128xf32>
    %add3A_798 = arith.addf %add3A_789, %mul3A_797 : vector<32x128xf32>
    %get3A_799 = arith.constant 0 : index
    %get3A_800 = arith.constant 11392 : index
    %get3A_801 = vector.load %arg2[%get3A_799, %get3A_800] : memref<32x25600xf32, #tpu.memory_space<vmem>>, vector<32x128xf32>
    %get3A_802 = arith.constant 89 : index
    %get3A_803 = arith.constant 0 : index
    %get3A_804 = vector.load %arg1[%get3A_802, %get3A_803] : memref<200x128xf32, #tpu.memory_space<vmem>>, vector<1x128xf32>
    %mul3A_805 = vector.broadcast %get3A_804 : vector<1x128xf32> to vector<32x128xf32>
    %mul3A_806 = arith.mulf %get3A_801, %mul3A_805 : vector<32x128xf32>
    %add3A_807 = arith.addf %add3A_798, %mul3A_806 : vector<32x128xf32>
    %get3A_808 = arith.constant 0 : index
    %get3A_809 = arith.constant 11520 : index
    %get3A_810 = vector.load %arg2[%get3A_808, %get3A_809] : memref<32x25600xf32, #tpu.memory_space<vmem>>, vector<32x128xf32>
    %get3A_811 = arith.constant 90 : index
    %get3A_812 = arith.constant 0 : index
    %get3A_813 = vector.load %arg1[%get3A_811, %get3A_812] : memref<200x128xf32, #tpu.memory_space<vmem>>, vector<1x128xf32>
    %mul3A_814 = vector.broadcast %get3A_813 : vector<1x128xf32> to vector<32x128xf32>
    %mul3A_815 = arith.mulf %get3A_810, %mul3A_814 : vector<32x128xf32>
    %add3A_816 = arith.addf %add3A_807, %mul3A_815 : vector<32x128xf32>
    %get3A_817 = arith.constant 0 : index
    %get3A_818 = arith.constant 11648 : index
    %get3A_819 = vector.load %arg2[%get3A_817, %get3A_818] : memref<32x25600xf32, #tpu.memory_space<vmem>>, vector<32x128xf32>
    %get3A_820 = arith.constant 91 : index
    %get3A_821 = arith.constant 0 : index
    %get3A_822 = vector.load %arg1[%get3A_820, %get3A_821] : memref<200x128xf32, #tpu.memory_space<vmem>>, vector<1x128xf32>
    %mul3A_823 = vector.broadcast %get3A_822 : vector<1x128xf32> to vector<32x128xf32>
    %mul3A_824 = arith.mulf %get3A_819, %mul3A_823 : vector<32x128xf32>
    %add3A_825 = arith.addf %add3A_816, %mul3A_824 : vector<32x128xf32>
    %get3A_826 = arith.constant 0 : index
    %get3A_827 = arith.constant 11776 : index
    %get3A_828 = vector.load %arg2[%get3A_826, %get3A_827] : memref<32x25600xf32, #tpu.memory_space<vmem>>, vector<32x128xf32>
    %get3A_829 = arith.constant 92 : index
    %get3A_830 = arith.constant 0 : index
    %get3A_831 = vector.load %arg1[%get3A_829, %get3A_830] : memref<200x128xf32, #tpu.memory_space<vmem>>, vector<1x128xf32>
    %mul3A_832 = vector.broadcast %get3A_831 : vector<1x128xf32> to vector<32x128xf32>
    %mul3A_833 = arith.mulf %get3A_828, %mul3A_832 : vector<32x128xf32>
    %add3A_834 = arith.addf %add3A_825, %mul3A_833 : vector<32x128xf32>
    %get3A_835 = arith.constant 0 : index
    %get3A_836 = arith.constant 11904 : index
    %get3A_837 = vector.load %arg2[%get3A_835, %get3A_836] : memref<32x25600xf32, #tpu.memory_space<vmem>>, vector<32x128xf32>
    %get3A_838 = arith.constant 93 : index
    %get3A_839 = arith.constant 0 : index
    %get3A_840 = vector.load %arg1[%get3A_838, %get3A_839] : memref<200x128xf32, #tpu.memory_space<vmem>>, vector<1x128xf32>
    %mul3A_841 = vector.broadcast %get3A_840 : vector<1x128xf32> to vector<32x128xf32>
    %mul3A_842 = arith.mulf %get3A_837, %mul3A_841 : vector<32x128xf32>
    %add3A_843 = arith.addf %add3A_834, %mul3A_842 : vector<32x128xf32>
    %get3A_844 = arith.constant 0 : index
    %get3A_845 = arith.constant 12032 : index
    %get3A_846 = vector.load %arg2[%get3A_844, %get3A_845] : memref<32x25600xf32, #tpu.memory_space<vmem>>, vector<32x128xf32>
    %get3A_847 = arith.constant 94 : index
    %get3A_848 = arith.constant 0 : index
    %get3A_849 = vector.load %arg1[%get3A_847, %get3A_848] : memref<200x128xf32, #tpu.memory_space<vmem>>, vector<1x128xf32>
    %mul3A_850 = vector.broadcast %get3A_849 : vector<1x128xf32> to vector<32x128xf32>
    %mul3A_851 = arith.mulf %get3A_846, %mul3A_850 : vector<32x128xf32>
    %add3A_852 = arith.addf %add3A_843, %mul3A_851 : vector<32x128xf32>
    %get3A_853 = arith.constant 0 : index
    %get3A_854 = arith.constant 12160 : index
    %get3A_855 = vector.load %arg2[%get3A_853, %get3A_854] : memref<32x25600xf32, #tpu.memory_space<vmem>>, vector<32x128xf32>
    %get3A_856 = arith.constant 95 : index
    %get3A_857 = arith.constant 0 : index
    %get3A_858 = vector.load %arg1[%get3A_856, %get3A_857] : memref<200x128xf32, #tpu.memory_space<vmem>>, vector<1x128xf32>
    %mul3A_859 = vector.broadcast %get3A_858 : vector<1x128xf32> to vector<32x128xf32>
    %mul3A_860 = arith.mulf %get3A_855, %mul3A_859 : vector<32x128xf32>
    %add3A_861 = arith.addf %add3A_852, %mul3A_860 : vector<32x128xf32>
    %get3A_862 = arith.constant 0 : index
    %get3A_863 = arith.constant 12288 : index
    %get3A_864 = vector.load %arg2[%get3A_862, %get3A_863] : memref<32x25600xf32, #tpu.memory_space<vmem>>, vector<32x128xf32>
    %get3A_865 = arith.constant 96 : index
    %get3A_866 = arith.constant 0 : index
    %get3A_867 = vector.load %arg1[%get3A_865, %get3A_866] : memref<200x128xf32, #tpu.memory_space<vmem>>, vector<1x128xf32>
    %mul3A_868 = vector.broadcast %get3A_867 : vector<1x128xf32> to vector<32x128xf32>
    %mul3A_869 = arith.mulf %get3A_864, %mul3A_868 : vector<32x128xf32>
    %add3A_870 = arith.addf %add3A_861, %mul3A_869 : vector<32x128xf32>
    %get3A_871 = arith.constant 0 : index
    %get3A_872 = arith.constant 12416 : index
    %get3A_873 = vector.load %arg2[%get3A_871, %get3A_872] : memref<32x25600xf32, #tpu.memory_space<vmem>>, vector<32x128xf32>
    %get3A_874 = arith.constant 97 : index
    %get3A_875 = arith.constant 0 : index
    %get3A_876 = vector.load %arg1[%get3A_874, %get3A_875] : memref<200x128xf32, #tpu.memory_space<vmem>>, vector<1x128xf32>
    %mul3A_877 = vector.broadcast %get3A_876 : vector<1x128xf32> to vector<32x128xf32>
    %mul3A_878 = arith.mulf %get3A_873, %mul3A_877 : vector<32x128xf32>
    %add3A_879 = arith.addf %add3A_870, %mul3A_878 : vector<32x128xf32>
    %get3A_880 = arith.constant 0 : index
    %get3A_881 = arith.constant 12544 : index
    %get3A_882 = vector.load %arg2[%get3A_880, %get3A_881] : memref<32x25600xf32, #tpu.memory_space<vmem>>, vector<32x128xf32>
    %get3A_883 = arith.constant 98 : index
    %get3A_884 = arith.constant 0 : index
    %get3A_885 = vector.load %arg1[%get3A_883, %get3A_884] : memref<200x128xf32, #tpu.memory_space<vmem>>, vector<1x128xf32>
    %mul3A_886 = vector.broadcast %get3A_885 : vector<1x128xf32> to vector<32x128xf32>
    %mul3A_887 = arith.mulf %get3A_882, %mul3A_886 : vector<32x128xf32>
    %add3A_888 = arith.addf %add3A_879, %mul3A_887 : vector<32x128xf32>
    %get3A_889 = arith.constant 0 : index
    %get3A_890 = arith.constant 12672 : index
    %get3A_891 = vector.load %arg2[%get3A_889, %get3A_890] : memref<32x25600xf32, #tpu.memory_space<vmem>>, vector<32x128xf32>
    %get3A_892 = arith.constant 99 : index
    %get3A_893 = arith.constant 0 : index
    %get3A_894 = vector.load %arg1[%get3A_892, %get3A_893] : memref<200x128xf32, #tpu.memory_space<vmem>>, vector<1x128xf32>
    %mul3A_895 = vector.broadcast %get3A_894 : vector<1x128xf32> to vector<32x128xf32>
    %mul3A_896 = arith.mulf %get3A_891, %mul3A_895 : vector<32x128xf32>
    %add3A_897 = arith.addf %add3A_888, %mul3A_896 : vector<32x128xf32>
    %get3A_898 = arith.constant 0 : index
    %get3A_899 = arith.constant 12800 : index
    %get3A_900 = vector.load %arg2[%get3A_898, %get3A_899] : memref<32x25600xf32, #tpu.memory_space<vmem>>, vector<32x128xf32>
    %get3A_901 = arith.constant 100 : index
    %get3A_902 = arith.constant 0 : index
    %get3A_903 = vector.load %arg1[%get3A_901, %get3A_902] : memref<200x128xf32, #tpu.memory_space<vmem>>, vector<1x128xf32>
    %mul3A_904 = vector.broadcast %get3A_903 : vector<1x128xf32> to vector<32x128xf32>
    %mul3A_905 = arith.mulf %get3A_900, %mul3A_904 : vector<32x128xf32>
    %add3A_906 = arith.addf %add3A_897, %mul3A_905 : vector<32x128xf32>
    %get3A_907 = arith.constant 0 : index
    %get3A_908 = arith.constant 12928 : index
    %get3A_909 = vector.load %arg2[%get3A_907, %get3A_908] : memref<32x25600xf32, #tpu.memory_space<vmem>>, vector<32x128xf32>
    %get3A_910 = arith.constant 101 : index
    %get3A_911 = arith.constant 0 : index
    %get3A_912 = vector.load %arg1[%get3A_910, %get3A_911] : memref<200x128xf32, #tpu.memory_space<vmem>>, vector<1x128xf32>
    %mul3A_913 = vector.broadcast %get3A_912 : vector<1x128xf32> to vector<32x128xf32>
    %mul3A_914 = arith.mulf %get3A_909, %mul3A_913 : vector<32x128xf32>
    %add3A_915 = arith.addf %add3A_906, %mul3A_914 : vector<32x128xf32>
    %get3A_916 = arith.constant 0 : index
    %get3A_917 = arith.constant 13056 : index
    %get3A_918 = vector.load %arg2[%get3A_916, %get3A_917] : memref<32x25600xf32, #tpu.memory_space<vmem>>, vector<32x128xf32>
    %get3A_919 = arith.constant 102 : index
    %get3A_920 = arith.constant 0 : index
    %get3A_921 = vector.load %arg1[%get3A_919, %get3A_920] : memref<200x128xf32, #tpu.memory_space<vmem>>, vector<1x128xf32>
    %mul3A_922 = vector.broadcast %get3A_921 : vector<1x128xf32> to vector<32x128xf32>
    %mul3A_923 = arith.mulf %get3A_918, %mul3A_922 : vector<32x128xf32>
    %add3A_924 = arith.addf %add3A_915, %mul3A_923 : vector<32x128xf32>
    %get3A_925 = arith.constant 0 : index
    %get3A_926 = arith.constant 13184 : index
    %get3A_927 = vector.load %arg2[%get3A_925, %get3A_926] : memref<32x25600xf32, #tpu.memory_space<vmem>>, vector<32x128xf32>
    %get3A_928 = arith.constant 103 : index
    %get3A_929 = arith.constant 0 : index
    %get3A_930 = vector.load %arg1[%get3A_928, %get3A_929] : memref<200x128xf32, #tpu.memory_space<vmem>>, vector<1x128xf32>
    %mul3A_931 = vector.broadcast %get3A_930 : vector<1x128xf32> to vector<32x128xf32>
    %mul3A_932 = arith.mulf %get3A_927, %mul3A_931 : vector<32x128xf32>
    %add3A_933 = arith.addf %add3A_924, %mul3A_932 : vector<32x128xf32>
    %get3A_934 = arith.constant 0 : index
    %get3A_935 = arith.constant 13312 : index
    %get3A_936 = vector.load %arg2[%get3A_934, %get3A_935] : memref<32x25600xf32, #tpu.memory_space<vmem>>, vector<32x128xf32>
    %get3A_937 = arith.constant 104 : index
    %get3A_938 = arith.constant 0 : index
    %get3A_939 = vector.load %arg1[%get3A_937, %get3A_938] : memref<200x128xf32, #tpu.memory_space<vmem>>, vector<1x128xf32>
    %mul3A_940 = vector.broadcast %get3A_939 : vector<1x128xf32> to vector<32x128xf32>
    %mul3A_941 = arith.mulf %get3A_936, %mul3A_940 : vector<32x128xf32>
    %add3A_942 = arith.addf %add3A_933, %mul3A_941 : vector<32x128xf32>
    %get3A_943 = arith.constant 0 : index
    %get3A_944 = arith.constant 13440 : index
    %get3A_945 = vector.load %arg2[%get3A_943, %get3A_944] : memref<32x25600xf32, #tpu.memory_space<vmem>>, vector<32x128xf32>
    %get3A_946 = arith.constant 105 : index
    %get3A_947 = arith.constant 0 : index
    %get3A_948 = vector.load %arg1[%get3A_946, %get3A_947] : memref<200x128xf32, #tpu.memory_space<vmem>>, vector<1x128xf32>
    %mul3A_949 = vector.broadcast %get3A_948 : vector<1x128xf32> to vector<32x128xf32>
    %mul3A_950 = arith.mulf %get3A_945, %mul3A_949 : vector<32x128xf32>
    %add3A_951 = arith.addf %add3A_942, %mul3A_950 : vector<32x128xf32>
    %get3A_952 = arith.constant 0 : index
    %get3A_953 = arith.constant 13568 : index
    %get3A_954 = vector.load %arg2[%get3A_952, %get3A_953] : memref<32x25600xf32, #tpu.memory_space<vmem>>, vector<32x128xf32>
    %get3A_955 = arith.constant 106 : index
    %get3A_956 = arith.constant 0 : index
    %get3A_957 = vector.load %arg1[%get3A_955, %get3A_956] : memref<200x128xf32, #tpu.memory_space<vmem>>, vector<1x128xf32>
    %mul3A_958 = vector.broadcast %get3A_957 : vector<1x128xf32> to vector<32x128xf32>
    %mul3A_959 = arith.mulf %get3A_954, %mul3A_958 : vector<32x128xf32>
    %add3A_960 = arith.addf %add3A_951, %mul3A_959 : vector<32x128xf32>
    %get3A_961 = arith.constant 0 : index
    %get3A_962 = arith.constant 13696 : index
    %get3A_963 = vector.load %arg2[%get3A_961, %get3A_962] : memref<32x25600xf32, #tpu.memory_space<vmem>>, vector<32x128xf32>
    %get3A_964 = arith.constant 107 : index
    %get3A_965 = arith.constant 0 : index
    %get3A_966 = vector.load %arg1[%get3A_964, %get3A_965] : memref<200x128xf32, #tpu.memory_space<vmem>>, vector<1x128xf32>
    %mul3A_967 = vector.broadcast %get3A_966 : vector<1x128xf32> to vector<32x128xf32>
    %mul3A_968 = arith.mulf %get3A_963, %mul3A_967 : vector<32x128xf32>
    %add3A_969 = arith.addf %add3A_960, %mul3A_968 : vector<32x128xf32>
    %get3A_970 = arith.constant 0 : index
    %get3A_971 = arith.constant 13824 : index
    %get3A_972 = vector.load %arg2[%get3A_970, %get3A_971] : memref<32x25600xf32, #tpu.memory_space<vmem>>, vector<32x128xf32>
    %get3A_973 = arith.constant 108 : index
    %get3A_974 = arith.constant 0 : index
    %get3A_975 = vector.load %arg1[%get3A_973, %get3A_974] : memref<200x128xf32, #tpu.memory_space<vmem>>, vector<1x128xf32>
    %mul3A_976 = vector.broadcast %get3A_975 : vector<1x128xf32> to vector<32x128xf32>
    %mul3A_977 = arith.mulf %get3A_972, %mul3A_976 : vector<32x128xf32>
    %add3A_978 = arith.addf %add3A_969, %mul3A_977 : vector<32x128xf32>
    %get3A_979 = arith.constant 0 : index
    %get3A_980 = arith.constant 13952 : index
    %get3A_981 = vector.load %arg2[%get3A_979, %get3A_980] : memref<32x25600xf32, #tpu.memory_space<vmem>>, vector<32x128xf32>
    %get3A_982 = arith.constant 109 : index
    %get3A_983 = arith.constant 0 : index
    %get3A_984 = vector.load %arg1[%get3A_982, %get3A_983] : memref<200x128xf32, #tpu.memory_space<vmem>>, vector<1x128xf32>
    %mul3A_985 = vector.broadcast %get3A_984 : vector<1x128xf32> to vector<32x128xf32>
    %mul3A_986 = arith.mulf %get3A_981, %mul3A_985 : vector<32x128xf32>
    %add3A_987 = arith.addf %add3A_978, %mul3A_986 : vector<32x128xf32>
    %get3A_988 = arith.constant 0 : index
    %get3A_989 = arith.constant 14080 : index
    %get3A_990 = vector.load %arg2[%get3A_988, %get3A_989] : memref<32x25600xf32, #tpu.memory_space<vmem>>, vector<32x128xf32>
    %get3A_991 = arith.constant 110 : index
    %get3A_992 = arith.constant 0 : index
    %get3A_993 = vector.load %arg1[%get3A_991, %get3A_992] : memref<200x128xf32, #tpu.memory_space<vmem>>, vector<1x128xf32>
    %mul3A_994 = vector.broadcast %get3A_993 : vector<1x128xf32> to vector<32x128xf32>
    %mul3A_995 = arith.mulf %get3A_990, %mul3A_994 : vector<32x128xf32>
    %add3A_996 = arith.addf %add3A_987, %mul3A_995 : vector<32x128xf32>
    %get3A_997 = arith.constant 0 : index
    %get3A_998 = arith.constant 14208 : index
    %get3A_999 = vector.load %arg2[%get3A_997, %get3A_998] : memref<32x25600xf32, #tpu.memory_space<vmem>>, vector<32x128xf32>
    %get3A_1000 = arith.constant 111 : index
    %get3A_1001 = arith.constant 0 : index
    %get3A_1002 = vector.load %arg1[%get3A_1000, %get3A_1001] : memref<200x128xf32, #tpu.memory_space<vmem>>, vector<1x128xf32>
    %mul3A_1003 = vector.broadcast %get3A_1002 : vector<1x128xf32> to vector<32x128xf32>
    %mul3A_1004 = arith.mulf %get3A_999, %mul3A_1003 : vector<32x128xf32>
    %add3A_1005 = arith.addf %add3A_996, %mul3A_1004 : vector<32x128xf32>
    %get3A_1006 = arith.constant 0 : index
    %get3A_1007 = arith.constant 14336 : index
    %get3A_1008 = vector.load %arg2[%get3A_1006, %get3A_1007] : memref<32x25600xf32, #tpu.memory_space<vmem>>, vector<32x128xf32>
    %get3A_1009 = arith.constant 112 : index
    %get3A_1010 = arith.constant 0 : index
    %get3A_1011 = vector.load %arg1[%get3A_1009, %get3A_1010] : memref<200x128xf32, #tpu.memory_space<vmem>>, vector<1x128xf32>
    %mul3A_1012 = vector.broadcast %get3A_1011 : vector<1x128xf32> to vector<32x128xf32>
    %mul3A_1013 = arith.mulf %get3A_1008, %mul3A_1012 : vector<32x128xf32>
    %add3A_1014 = arith.addf %add3A_1005, %mul3A_1013 : vector<32x128xf32>
    %get3A_1015 = arith.constant 0 : index
    %get3A_1016 = arith.constant 14464 : index
    %get3A_1017 = vector.load %arg2[%get3A_1015, %get3A_1016] : memref<32x25600xf32, #tpu.memory_space<vmem>>, vector<32x128xf32>
    %get3A_1018 = arith.constant 113 : index
    %get3A_1019 = arith.constant 0 : index
    %get3A_1020 = vector.load %arg1[%get3A_1018, %get3A_1019] : memref<200x128xf32, #tpu.memory_space<vmem>>, vector<1x128xf32>
    %mul3A_1021 = vector.broadcast %get3A_1020 : vector<1x128xf32> to vector<32x128xf32>
    %mul3A_1022 = arith.mulf %get3A_1017, %mul3A_1021 : vector<32x128xf32>
    %add3A_1023 = arith.addf %add3A_1014, %mul3A_1022 : vector<32x128xf32>
    %get3A_1024 = arith.constant 0 : index
    %get3A_1025 = arith.constant 14592 : index
    %get3A_1026 = vector.load %arg2[%get3A_1024, %get3A_1025] : memref<32x25600xf32, #tpu.memory_space<vmem>>, vector<32x128xf32>
    %get3A_1027 = arith.constant 114 : index
    %get3A_1028 = arith.constant 0 : index
    %get3A_1029 = vector.load %arg1[%get3A_1027, %get3A_1028] : memref<200x128xf32, #tpu.memory_space<vmem>>, vector<1x128xf32>
    %mul3A_1030 = vector.broadcast %get3A_1029 : vector<1x128xf32> to vector<32x128xf32>
    %mul3A_1031 = arith.mulf %get3A_1026, %mul3A_1030 : vector<32x128xf32>
    %add3A_1032 = arith.addf %add3A_1023, %mul3A_1031 : vector<32x128xf32>
    %get3A_1033 = arith.constant 0 : index
    %get3A_1034 = arith.constant 14720 : index
    %get3A_1035 = vector.load %arg2[%get3A_1033, %get3A_1034] : memref<32x25600xf32, #tpu.memory_space<vmem>>, vector<32x128xf32>
    %get3A_1036 = arith.constant 115 : index
    %get3A_1037 = arith.constant 0 : index
    %get3A_1038 = vector.load %arg1[%get3A_1036, %get3A_1037] : memref<200x128xf32, #tpu.memory_space<vmem>>, vector<1x128xf32>
    %mul3A_1039 = vector.broadcast %get3A_1038 : vector<1x128xf32> to vector<32x128xf32>
    %mul3A_1040 = arith.mulf %get3A_1035, %mul3A_1039 : vector<32x128xf32>
    %add3A_1041 = arith.addf %add3A_1032, %mul3A_1040 : vector<32x128xf32>
    %get3A_1042 = arith.constant 0 : index
    %get3A_1043 = arith.constant 14848 : index
    %get3A_1044 = vector.load %arg2[%get3A_1042, %get3A_1043] : memref<32x25600xf32, #tpu.memory_space<vmem>>, vector<32x128xf32>
    %get3A_1045 = arith.constant 116 : index
    %get3A_1046 = arith.constant 0 : index
    %get3A_1047 = vector.load %arg1[%get3A_1045, %get3A_1046] : memref<200x128xf32, #tpu.memory_space<vmem>>, vector<1x128xf32>
    %mul3A_1048 = vector.broadcast %get3A_1047 : vector<1x128xf32> to vector<32x128xf32>
    %mul3A_1049 = arith.mulf %get3A_1044, %mul3A_1048 : vector<32x128xf32>
    %add3A_1050 = arith.addf %add3A_1041, %mul3A_1049 : vector<32x128xf32>
    %get3A_1051 = arith.constant 0 : index
    %get3A_1052 = arith.constant 14976 : index
    %get3A_1053 = vector.load %arg2[%get3A_1051, %get3A_1052] : memref<32x25600xf32, #tpu.memory_space<vmem>>, vector<32x128xf32>
    %get3A_1054 = arith.constant 117 : index
    %get3A_1055 = arith.constant 0 : index
    %get3A_1056 = vector.load %arg1[%get3A_1054, %get3A_1055] : memref<200x128xf32, #tpu.memory_space<vmem>>, vector<1x128xf32>
    %mul3A_1057 = vector.broadcast %get3A_1056 : vector<1x128xf32> to vector<32x128xf32>
    %mul3A_1058 = arith.mulf %get3A_1053, %mul3A_1057 : vector<32x128xf32>
    %add3A_1059 = arith.addf %add3A_1050, %mul3A_1058 : vector<32x128xf32>
    %get3A_1060 = arith.constant 0 : index
    %get3A_1061 = arith.constant 15104 : index
    %get3A_1062 = vector.load %arg2[%get3A_1060, %get3A_1061] : memref<32x25600xf32, #tpu.memory_space<vmem>>, vector<32x128xf32>
    %get3A_1063 = arith.constant 118 : index
    %get3A_1064 = arith.constant 0 : index
    %get3A_1065 = vector.load %arg1[%get3A_1063, %get3A_1064] : memref<200x128xf32, #tpu.memory_space<vmem>>, vector<1x128xf32>
    %mul3A_1066 = vector.broadcast %get3A_1065 : vector<1x128xf32> to vector<32x128xf32>
    %mul3A_1067 = arith.mulf %get3A_1062, %mul3A_1066 : vector<32x128xf32>
    %add3A_1068 = arith.addf %add3A_1059, %mul3A_1067 : vector<32x128xf32>
    %get3A_1069 = arith.constant 0 : index
    %get3A_1070 = arith.constant 15232 : index
    %get3A_1071 = vector.load %arg2[%get3A_1069, %get3A_1070] : memref<32x25600xf32, #tpu.memory_space<vmem>>, vector<32x128xf32>
    %get3A_1072 = arith.constant 119 : index
    %get3A_1073 = arith.constant 0 : index
    %get3A_1074 = vector.load %arg1[%get3A_1072, %get3A_1073] : memref<200x128xf32, #tpu.memory_space<vmem>>, vector<1x128xf32>
    %mul3A_1075 = vector.broadcast %get3A_1074 : vector<1x128xf32> to vector<32x128xf32>
    %mul3A_1076 = arith.mulf %get3A_1071, %mul3A_1075 : vector<32x128xf32>
    %add3A_1077 = arith.addf %add3A_1068, %mul3A_1076 : vector<32x128xf32>
    %get3A_1078 = arith.constant 0 : index
    %get3A_1079 = arith.constant 15360 : index
    %get3A_1080 = vector.load %arg2[%get3A_1078, %get3A_1079] : memref<32x25600xf32, #tpu.memory_space<vmem>>, vector<32x128xf32>
    %get3A_1081 = arith.constant 120 : index
    %get3A_1082 = arith.constant 0 : index
    %get3A_1083 = vector.load %arg1[%get3A_1081, %get3A_1082] : memref<200x128xf32, #tpu.memory_space<vmem>>, vector<1x128xf32>
    %mul3A_1084 = vector.broadcast %get3A_1083 : vector<1x128xf32> to vector<32x128xf32>
    %mul3A_1085 = arith.mulf %get3A_1080, %mul3A_1084 : vector<32x128xf32>
    %add3A_1086 = arith.addf %add3A_1077, %mul3A_1085 : vector<32x128xf32>
    %get3A_1087 = arith.constant 0 : index
    %get3A_1088 = arith.constant 15488 : index
    %get3A_1089 = vector.load %arg2[%get3A_1087, %get3A_1088] : memref<32x25600xf32, #tpu.memory_space<vmem>>, vector<32x128xf32>
    %get3A_1090 = arith.constant 121 : index
    %get3A_1091 = arith.constant 0 : index
    %get3A_1092 = vector.load %arg1[%get3A_1090, %get3A_1091] : memref<200x128xf32, #tpu.memory_space<vmem>>, vector<1x128xf32>
    %mul3A_1093 = vector.broadcast %get3A_1092 : vector<1x128xf32> to vector<32x128xf32>
    %mul3A_1094 = arith.mulf %get3A_1089, %mul3A_1093 : vector<32x128xf32>
    %add3A_1095 = arith.addf %add3A_1086, %mul3A_1094 : vector<32x128xf32>
    %get3A_1096 = arith.constant 0 : index
    %get3A_1097 = arith.constant 15616 : index
    %get3A_1098 = vector.load %arg2[%get3A_1096, %get3A_1097] : memref<32x25600xf32, #tpu.memory_space<vmem>>, vector<32x128xf32>
    %get3A_1099 = arith.constant 122 : index
    %get3A_1100 = arith.constant 0 : index
    %get3A_1101 = vector.load %arg1[%get3A_1099, %get3A_1100] : memref<200x128xf32, #tpu.memory_space<vmem>>, vector<1x128xf32>
    %mul3A_1102 = vector.broadcast %get3A_1101 : vector<1x128xf32> to vector<32x128xf32>
    %mul3A_1103 = arith.mulf %get3A_1098, %mul3A_1102 : vector<32x128xf32>
    %add3A_1104 = arith.addf %add3A_1095, %mul3A_1103 : vector<32x128xf32>
    %get3A_1105 = arith.constant 0 : index
    %get3A_1106 = arith.constant 15744 : index
    %get3A_1107 = vector.load %arg2[%get3A_1105, %get3A_1106] : memref<32x25600xf32, #tpu.memory_space<vmem>>, vector<32x128xf32>
    %get3A_1108 = arith.constant 123 : index
    %get3A_1109 = arith.constant 0 : index
    %get3A_1110 = vector.load %arg1[%get3A_1108, %get3A_1109] : memref<200x128xf32, #tpu.memory_space<vmem>>, vector<1x128xf32>
    %mul3A_1111 = vector.broadcast %get3A_1110 : vector<1x128xf32> to vector<32x128xf32>
    %mul3A_1112 = arith.mulf %get3A_1107, %mul3A_1111 : vector<32x128xf32>
    %add3A_1113 = arith.addf %add3A_1104, %mul3A_1112 : vector<32x128xf32>
    %get3A_1114 = arith.constant 0 : index
    %get3A_1115 = arith.constant 15872 : index
    %get3A_1116 = vector.load %arg2[%get3A_1114, %get3A_1115] : memref<32x25600xf32, #tpu.memory_space<vmem>>, vector<32x128xf32>
    %get3A_1117 = arith.constant 124 : index
    %get3A_1118 = arith.constant 0 : index
    %get3A_1119 = vector.load %arg1[%get3A_1117, %get3A_1118] : memref<200x128xf32, #tpu.memory_space<vmem>>, vector<1x128xf32>
    %mul3A_1120 = vector.broadcast %get3A_1119 : vector<1x128xf32> to vector<32x128xf32>
    %mul3A_1121 = arith.mulf %get3A_1116, %mul3A_1120 : vector<32x128xf32>
    %add3A_1122 = arith.addf %add3A_1113, %mul3A_1121 : vector<32x128xf32>
    %get3A_1123 = arith.constant 0 : index
    %get3A_1124 = arith.constant 16000 : index
    %get3A_1125 = vector.load %arg2[%get3A_1123, %get3A_1124] : memref<32x25600xf32, #tpu.memory_space<vmem>>, vector<32x128xf32>
    %get3A_1126 = arith.constant 125 : index
    %get3A_1127 = arith.constant 0 : index
    %get3A_1128 = vector.load %arg1[%get3A_1126, %get3A_1127] : memref<200x128xf32, #tpu.memory_space<vmem>>, vector<1x128xf32>
    %mul3A_1129 = vector.broadcast %get3A_1128 : vector<1x128xf32> to vector<32x128xf32>
    %mul3A_1130 = arith.mulf %get3A_1125, %mul3A_1129 : vector<32x128xf32>
    %add3A_1131 = arith.addf %add3A_1122, %mul3A_1130 : vector<32x128xf32>
    %get3A_1132 = arith.constant 0 : index
    %get3A_1133 = arith.constant 16128 : index
    %get3A_1134 = vector.load %arg2[%get3A_1132, %get3A_1133] : memref<32x25600xf32, #tpu.memory_space<vmem>>, vector<32x128xf32>
    %get3A_1135 = arith.constant 126 : index
    %get3A_1136 = arith.constant 0 : index
    %get3A_1137 = vector.load %arg1[%get3A_1135, %get3A_1136] : memref<200x128xf32, #tpu.memory_space<vmem>>, vector<1x128xf32>
    %mul3A_1138 = vector.broadcast %get3A_1137 : vector<1x128xf32> to vector<32x128xf32>
    %mul3A_1139 = arith.mulf %get3A_1134, %mul3A_1138 : vector<32x128xf32>
    %add3A_1140 = arith.addf %add3A_1131, %mul3A_1139 : vector<32x128xf32>
    %get3A_1141 = arith.constant 0 : index
    %get3A_1142 = arith.constant 16256 : index
    %get3A_1143 = vector.load %arg2[%get3A_1141, %get3A_1142] : memref<32x25600xf32, #tpu.memory_space<vmem>>, vector<32x128xf32>
    %get3A_1144 = arith.constant 127 : index
    %get3A_1145 = arith.constant 0 : index
    %get3A_1146 = vector.load %arg1[%get3A_1144, %get3A_1145] : memref<200x128xf32, #tpu.memory_space<vmem>>, vector<1x128xf32>
    %mul3A_1147 = vector.broadcast %get3A_1146 : vector<1x128xf32> to vector<32x128xf32>
    %mul3A_1148 = arith.mulf %get3A_1143, %mul3A_1147 : vector<32x128xf32>
    %add3A_1149 = arith.addf %add3A_1140, %mul3A_1148 : vector<32x128xf32>
    %get3A_1150 = arith.constant 0 : index
    %get3A_1151 = arith.constant 16384 : index
    %get3A_1152 = vector.load %arg2[%get3A_1150, %get3A_1151] : memref<32x25600xf32, #tpu.memory_space<vmem>>, vector<32x128xf32>
    %get3A_1153 = arith.constant 128 : index
    %get3A_1154 = arith.constant 0 : index
    %get3A_1155 = vector.load %arg1[%get3A_1153, %get3A_1154] : memref<200x128xf32, #tpu.memory_space<vmem>>, vector<1x128xf32>
    %mul3A_1156 = vector.broadcast %get3A_1155 : vector<1x128xf32> to vector<32x128xf32>
    %mul3A_1157 = arith.mulf %get3A_1152, %mul3A_1156 : vector<32x128xf32>
    %add3A_1158 = arith.addf %add3A_1149, %mul3A_1157 : vector<32x128xf32>
    %get3A_1159 = arith.constant 0 : index
    %get3A_1160 = arith.constant 16512 : index
    %get3A_1161 = vector.load %arg2[%get3A_1159, %get3A_1160] : memref<32x25600xf32, #tpu.memory_space<vmem>>, vector<32x128xf32>
    %get3A_1162 = arith.constant 129 : index
    %get3A_1163 = arith.constant 0 : index
    %get3A_1164 = vector.load %arg1[%get3A_1162, %get3A_1163] : memref<200x128xf32, #tpu.memory_space<vmem>>, vector<1x128xf32>
    %mul3A_1165 = vector.broadcast %get3A_1164 : vector<1x128xf32> to vector<32x128xf32>
    %mul3A_1166 = arith.mulf %get3A_1161, %mul3A_1165 : vector<32x128xf32>
    %add3A_1167 = arith.addf %add3A_1158, %mul3A_1166 : vector<32x128xf32>
    %get3A_1168 = arith.constant 0 : index
    %get3A_1169 = arith.constant 16640 : index
    %get3A_1170 = vector.load %arg2[%get3A_1168, %get3A_1169] : memref<32x25600xf32, #tpu.memory_space<vmem>>, vector<32x128xf32>
    %get3A_1171 = arith.constant 130 : index
    %get3A_1172 = arith.constant 0 : index
    %get3A_1173 = vector.load %arg1[%get3A_1171, %get3A_1172] : memref<200x128xf32, #tpu.memory_space<vmem>>, vector<1x128xf32>
    %mul3A_1174 = vector.broadcast %get3A_1173 : vector<1x128xf32> to vector<32x128xf32>
    %mul3A_1175 = arith.mulf %get3A_1170, %mul3A_1174 : vector<32x128xf32>
    %add3A_1176 = arith.addf %add3A_1167, %mul3A_1175 : vector<32x128xf32>
    %get3A_1177 = arith.constant 0 : index
    %get3A_1178 = arith.constant 16768 : index
    %get3A_1179 = vector.load %arg2[%get3A_1177, %get3A_1178] : memref<32x25600xf32, #tpu.memory_space<vmem>>, vector<32x128xf32>
    %get3A_1180 = arith.constant 131 : index
    %get3A_1181 = arith.constant 0 : index
    %get3A_1182 = vector.load %arg1[%get3A_1180, %get3A_1181] : memref<200x128xf32, #tpu.memory_space<vmem>>, vector<1x128xf32>
    %mul3A_1183 = vector.broadcast %get3A_1182 : vector<1x128xf32> to vector<32x128xf32>
    %mul3A_1184 = arith.mulf %get3A_1179, %mul3A_1183 : vector<32x128xf32>
    %add3A_1185 = arith.addf %add3A_1176, %mul3A_1184 : vector<32x128xf32>
    %get3A_1186 = arith.constant 0 : index
    %get3A_1187 = arith.constant 16896 : index
    %get3A_1188 = vector.load %arg2[%get3A_1186, %get3A_1187] : memref<32x25600xf32, #tpu.memory_space<vmem>>, vector<32x128xf32>
    %get3A_1189 = arith.constant 132 : index
    %get3A_1190 = arith.constant 0 : index
    %get3A_1191 = vector.load %arg1[%get3A_1189, %get3A_1190] : memref<200x128xf32, #tpu.memory_space<vmem>>, vector<1x128xf32>
    %mul3A_1192 = vector.broadcast %get3A_1191 : vector<1x128xf32> to vector<32x128xf32>
    %mul3A_1193 = arith.mulf %get3A_1188, %mul3A_1192 : vector<32x128xf32>
    %add3A_1194 = arith.addf %add3A_1185, %mul3A_1193 : vector<32x128xf32>
    %get3A_1195 = arith.constant 0 : index
    %get3A_1196 = arith.constant 17024 : index
    %get3A_1197 = vector.load %arg2[%get3A_1195, %get3A_1196] : memref<32x25600xf32, #tpu.memory_space<vmem>>, vector<32x128xf32>
    %get3A_1198 = arith.constant 133 : index
    %get3A_1199 = arith.constant 0 : index
    %get3A_1200 = vector.load %arg1[%get3A_1198, %get3A_1199] : memref<200x128xf32, #tpu.memory_space<vmem>>, vector<1x128xf32>
    %mul3A_1201 = vector.broadcast %get3A_1200 : vector<1x128xf32> to vector<32x128xf32>
    %mul3A_1202 = arith.mulf %get3A_1197, %mul3A_1201 : vector<32x128xf32>
    %add3A_1203 = arith.addf %add3A_1194, %mul3A_1202 : vector<32x128xf32>
    %get3A_1204 = arith.constant 0 : index
    %get3A_1205 = arith.constant 17152 : index
    %get3A_1206 = vector.load %arg2[%get3A_1204, %get3A_1205] : memref<32x25600xf32, #tpu.memory_space<vmem>>, vector<32x128xf32>
    %get3A_1207 = arith.constant 134 : index
    %get3A_1208 = arith.constant 0 : index
    %get3A_1209 = vector.load %arg1[%get3A_1207, %get3A_1208] : memref<200x128xf32, #tpu.memory_space<vmem>>, vector<1x128xf32>
    %mul3A_1210 = vector.broadcast %get3A_1209 : vector<1x128xf32> to vector<32x128xf32>
    %mul3A_1211 = arith.mulf %get3A_1206, %mul3A_1210 : vector<32x128xf32>
    %add3A_1212 = arith.addf %add3A_1203, %mul3A_1211 : vector<32x128xf32>
    %get3A_1213 = arith.constant 0 : index
    %get3A_1214 = arith.constant 17280 : index
    %get3A_1215 = vector.load %arg2[%get3A_1213, %get3A_1214] : memref<32x25600xf32, #tpu.memory_space<vmem>>, vector<32x128xf32>
    %get3A_1216 = arith.constant 135 : index
    %get3A_1217 = arith.constant 0 : index
    %get3A_1218 = vector.load %arg1[%get3A_1216, %get3A_1217] : memref<200x128xf32, #tpu.memory_space<vmem>>, vector<1x128xf32>
    %mul3A_1219 = vector.broadcast %get3A_1218 : vector<1x128xf32> to vector<32x128xf32>
    %mul3A_1220 = arith.mulf %get3A_1215, %mul3A_1219 : vector<32x128xf32>
    %add3A_1221 = arith.addf %add3A_1212, %mul3A_1220 : vector<32x128xf32>
    %get3A_1222 = arith.constant 0 : index
    %get3A_1223 = arith.constant 17408 : index
    %get3A_1224 = vector.load %arg2[%get3A_1222, %get3A_1223] : memref<32x25600xf32, #tpu.memory_space<vmem>>, vector<32x128xf32>
    %get3A_1225 = arith.constant 136 : index
    %get3A_1226 = arith.constant 0 : index
    %get3A_1227 = vector.load %arg1[%get3A_1225, %get3A_1226] : memref<200x128xf32, #tpu.memory_space<vmem>>, vector<1x128xf32>
    %mul3A_1228 = vector.broadcast %get3A_1227 : vector<1x128xf32> to vector<32x128xf32>
    %mul3A_1229 = arith.mulf %get3A_1224, %mul3A_1228 : vector<32x128xf32>
    %add3A_1230 = arith.addf %add3A_1221, %mul3A_1229 : vector<32x128xf32>
    %get3A_1231 = arith.constant 0 : index
    %get3A_1232 = arith.constant 17536 : index
    %get3A_1233 = vector.load %arg2[%get3A_1231, %get3A_1232] : memref<32x25600xf32, #tpu.memory_space<vmem>>, vector<32x128xf32>
    %get3A_1234 = arith.constant 137 : index
    %get3A_1235 = arith.constant 0 : index
    %get3A_1236 = vector.load %arg1[%get3A_1234, %get3A_1235] : memref<200x128xf32, #tpu.memory_space<vmem>>, vector<1x128xf32>
    %mul3A_1237 = vector.broadcast %get3A_1236 : vector<1x128xf32> to vector<32x128xf32>
    %mul3A_1238 = arith.mulf %get3A_1233, %mul3A_1237 : vector<32x128xf32>
    %add3A_1239 = arith.addf %add3A_1230, %mul3A_1238 : vector<32x128xf32>
    %get3A_1240 = arith.constant 0 : index
    %get3A_1241 = arith.constant 17664 : index
    %get3A_1242 = vector.load %arg2[%get3A_1240, %get3A_1241] : memref<32x25600xf32, #tpu.memory_space<vmem>>, vector<32x128xf32>
    %get3A_1243 = arith.constant 138 : index
    %get3A_1244 = arith.constant 0 : index
    %get3A_1245 = vector.load %arg1[%get3A_1243, %get3A_1244] : memref<200x128xf32, #tpu.memory_space<vmem>>, vector<1x128xf32>
    %mul3A_1246 = vector.broadcast %get3A_1245 : vector<1x128xf32> to vector<32x128xf32>
    %mul3A_1247 = arith.mulf %get3A_1242, %mul3A_1246 : vector<32x128xf32>
    %add3A_1248 = arith.addf %add3A_1239, %mul3A_1247 : vector<32x128xf32>
    %get3A_1249 = arith.constant 0 : index
    %get3A_1250 = arith.constant 17792 : index
    %get3A_1251 = vector.load %arg2[%get3A_1249, %get3A_1250] : memref<32x25600xf32, #tpu.memory_space<vmem>>, vector<32x128xf32>
    %get3A_1252 = arith.constant 139 : index
    %get3A_1253 = arith.constant 0 : index
    %get3A_1254 = vector.load %arg1[%get3A_1252, %get3A_1253] : memref<200x128xf32, #tpu.memory_space<vmem>>, vector<1x128xf32>
    %mul3A_1255 = vector.broadcast %get3A_1254 : vector<1x128xf32> to vector<32x128xf32>
    %mul3A_1256 = arith.mulf %get3A_1251, %mul3A_1255 : vector<32x128xf32>
    %add3A_1257 = arith.addf %add3A_1248, %mul3A_1256 : vector<32x128xf32>
    %get3A_1258 = arith.constant 0 : index
    %get3A_1259 = arith.constant 17920 : index
    %get3A_1260 = vector.load %arg2[%get3A_1258, %get3A_1259] : memref<32x25600xf32, #tpu.memory_space<vmem>>, vector<32x128xf32>
    %get3A_1261 = arith.constant 140 : index
    %get3A_1262 = arith.constant 0 : index
    %get3A_1263 = vector.load %arg1[%get3A_1261, %get3A_1262] : memref<200x128xf32, #tpu.memory_space<vmem>>, vector<1x128xf32>
    %mul3A_1264 = vector.broadcast %get3A_1263 : vector<1x128xf32> to vector<32x128xf32>
    %mul3A_1265 = arith.mulf %get3A_1260, %mul3A_1264 : vector<32x128xf32>
    %add3A_1266 = arith.addf %add3A_1257, %mul3A_1265 : vector<32x128xf32>
    %get3A_1267 = arith.constant 0 : index
    %get3A_1268 = arith.constant 18048 : index
    %get3A_1269 = vector.load %arg2[%get3A_1267, %get3A_1268] : memref<32x25600xf32, #tpu.memory_space<vmem>>, vector<32x128xf32>
    %get3A_1270 = arith.constant 141 : index
    %get3A_1271 = arith.constant 0 : index
    %get3A_1272 = vector.load %arg1[%get3A_1270, %get3A_1271] : memref<200x128xf32, #tpu.memory_space<vmem>>, vector<1x128xf32>
    %mul3A_1273 = vector.broadcast %get3A_1272 : vector<1x128xf32> to vector<32x128xf32>
    %mul3A_1274 = arith.mulf %get3A_1269, %mul3A_1273 : vector<32x128xf32>
    %add3A_1275 = arith.addf %add3A_1266, %mul3A_1274 : vector<32x128xf32>
    %get3A_1276 = arith.constant 0 : index
    %get3A_1277 = arith.constant 18176 : index
    %get3A_1278 = vector.load %arg2[%get3A_1276, %get3A_1277] : memref<32x25600xf32, #tpu.memory_space<vmem>>, vector<32x128xf32>
    %get3A_1279 = arith.constant 142 : index
    %get3A_1280 = arith.constant 0 : index
    %get3A_1281 = vector.load %arg1[%get3A_1279, %get3A_1280] : memref<200x128xf32, #tpu.memory_space<vmem>>, vector<1x128xf32>
    %mul3A_1282 = vector.broadcast %get3A_1281 : vector<1x128xf32> to vector<32x128xf32>
    %mul3A_1283 = arith.mulf %get3A_1278, %mul3A_1282 : vector<32x128xf32>
    %add3A_1284 = arith.addf %add3A_1275, %mul3A_1283 : vector<32x128xf32>
    %get3A_1285 = arith.constant 0 : index
    %get3A_1286 = arith.constant 18304 : index
    %get3A_1287 = vector.load %arg2[%get3A_1285, %get3A_1286] : memref<32x25600xf32, #tpu.memory_space<vmem>>, vector<32x128xf32>
    %get3A_1288 = arith.constant 143 : index
    %get3A_1289 = arith.constant 0 : index
    %get3A_1290 = vector.load %arg1[%get3A_1288, %get3A_1289] : memref<200x128xf32, #tpu.memory_space<vmem>>, vector<1x128xf32>
    %mul3A_1291 = vector.broadcast %get3A_1290 : vector<1x128xf32> to vector<32x128xf32>
    %mul3A_1292 = arith.mulf %get3A_1287, %mul3A_1291 : vector<32x128xf32>
    %add3A_1293 = arith.addf %add3A_1284, %mul3A_1292 : vector<32x128xf32>
    %get3A_1294 = arith.constant 0 : index
    %get3A_1295 = arith.constant 18432 : index
    %get3A_1296 = vector.load %arg2[%get3A_1294, %get3A_1295] : memref<32x25600xf32, #tpu.memory_space<vmem>>, vector<32x128xf32>
    %get3A_1297 = arith.constant 144 : index
    %get3A_1298 = arith.constant 0 : index
    %get3A_1299 = vector.load %arg1[%get3A_1297, %get3A_1298] : memref<200x128xf32, #tpu.memory_space<vmem>>, vector<1x128xf32>
    %mul3A_1300 = vector.broadcast %get3A_1299 : vector<1x128xf32> to vector<32x128xf32>
    %mul3A_1301 = arith.mulf %get3A_1296, %mul3A_1300 : vector<32x128xf32>
    %add3A_1302 = arith.addf %add3A_1293, %mul3A_1301 : vector<32x128xf32>
    %get3A_1303 = arith.constant 0 : index
    %get3A_1304 = arith.constant 18560 : index
    %get3A_1305 = vector.load %arg2[%get3A_1303, %get3A_1304] : memref<32x25600xf32, #tpu.memory_space<vmem>>, vector<32x128xf32>
    %get3A_1306 = arith.constant 145 : index
    %get3A_1307 = arith.constant 0 : index
    %get3A_1308 = vector.load %arg1[%get3A_1306, %get3A_1307] : memref<200x128xf32, #tpu.memory_space<vmem>>, vector<1x128xf32>
    %mul3A_1309 = vector.broadcast %get3A_1308 : vector<1x128xf32> to vector<32x128xf32>
    %mul3A_1310 = arith.mulf %get3A_1305, %mul3A_1309 : vector<32x128xf32>
    %add3A_1311 = arith.addf %add3A_1302, %mul3A_1310 : vector<32x128xf32>
    %get3A_1312 = arith.constant 0 : index
    %get3A_1313 = arith.constant 18688 : index
    %get3A_1314 = vector.load %arg2[%get3A_1312, %get3A_1313] : memref<32x25600xf32, #tpu.memory_space<vmem>>, vector<32x128xf32>
    %get3A_1315 = arith.constant 146 : index
    %get3A_1316 = arith.constant 0 : index
    %get3A_1317 = vector.load %arg1[%get3A_1315, %get3A_1316] : memref<200x128xf32, #tpu.memory_space<vmem>>, vector<1x128xf32>
    %mul3A_1318 = vector.broadcast %get3A_1317 : vector<1x128xf32> to vector<32x128xf32>
    %mul3A_1319 = arith.mulf %get3A_1314, %mul3A_1318 : vector<32x128xf32>
    %add3A_1320 = arith.addf %add3A_1311, %mul3A_1319 : vector<32x128xf32>
    %get3A_1321 = arith.constant 0 : index
    %get3A_1322 = arith.constant 18816 : index
    %get3A_1323 = vector.load %arg2[%get3A_1321, %get3A_1322] : memref<32x25600xf32, #tpu.memory_space<vmem>>, vector<32x128xf32>
    %get3A_1324 = arith.constant 147 : index
    %get3A_1325 = arith.constant 0 : index
    %get3A_1326 = vector.load %arg1[%get3A_1324, %get3A_1325] : memref<200x128xf32, #tpu.memory_space<vmem>>, vector<1x128xf32>
    %mul3A_1327 = vector.broadcast %get3A_1326 : vector<1x128xf32> to vector<32x128xf32>
    %mul3A_1328 = arith.mulf %get3A_1323, %mul3A_1327 : vector<32x128xf32>
    %add3A_1329 = arith.addf %add3A_1320, %mul3A_1328 : vector<32x128xf32>
    %get3A_1330 = arith.constant 0 : index
    %get3A_1331 = arith.constant 18944 : index
    %get3A_1332 = vector.load %arg2[%get3A_1330, %get3A_1331] : memref<32x25600xf32, #tpu.memory_space<vmem>>, vector<32x128xf32>
    %get3A_1333 = arith.constant 148 : index
    %get3A_1334 = arith.constant 0 : index
    %get3A_1335 = vector.load %arg1[%get3A_1333, %get3A_1334] : memref<200x128xf32, #tpu.memory_space<vmem>>, vector<1x128xf32>
    %mul3A_1336 = vector.broadcast %get3A_1335 : vector<1x128xf32> to vector<32x128xf32>
    %mul3A_1337 = arith.mulf %get3A_1332, %mul3A_1336 : vector<32x128xf32>
    %add3A_1338 = arith.addf %add3A_1329, %mul3A_1337 : vector<32x128xf32>
    %get3A_1339 = arith.constant 0 : index
    %get3A_1340 = arith.constant 19072 : index
    %get3A_1341 = vector.load %arg2[%get3A_1339, %get3A_1340] : memref<32x25600xf32, #tpu.memory_space<vmem>>, vector<32x128xf32>
    %get3A_1342 = arith.constant 149 : index
    %get3A_1343 = arith.constant 0 : index
    %get3A_1344 = vector.load %arg1[%get3A_1342, %get3A_1343] : memref<200x128xf32, #tpu.memory_space<vmem>>, vector<1x128xf32>
    %mul3A_1345 = vector.broadcast %get3A_1344 : vector<1x128xf32> to vector<32x128xf32>
    %mul3A_1346 = arith.mulf %get3A_1341, %mul3A_1345 : vector<32x128xf32>
    %add3A_1347 = arith.addf %add3A_1338, %mul3A_1346 : vector<32x128xf32>
    %get3A_1348 = arith.constant 0 : index
    %get3A_1349 = arith.constant 19200 : index
    %get3A_1350 = vector.load %arg2[%get3A_1348, %get3A_1349] : memref<32x25600xf32, #tpu.memory_space<vmem>>, vector<32x128xf32>
    %get3A_1351 = arith.constant 150 : index
    %get3A_1352 = arith.constant 0 : index
    %get3A_1353 = vector.load %arg1[%get3A_1351, %get3A_1352] : memref<200x128xf32, #tpu.memory_space<vmem>>, vector<1x128xf32>
    %mul3A_1354 = vector.broadcast %get3A_1353 : vector<1x128xf32> to vector<32x128xf32>
    %mul3A_1355 = arith.mulf %get3A_1350, %mul3A_1354 : vector<32x128xf32>
    %add3A_1356 = arith.addf %add3A_1347, %mul3A_1355 : vector<32x128xf32>
    %get3A_1357 = arith.constant 0 : index
    %get3A_1358 = arith.constant 19328 : index
    %get3A_1359 = vector.load %arg2[%get3A_1357, %get3A_1358] : memref<32x25600xf32, #tpu.memory_space<vmem>>, vector<32x128xf32>
    %get3A_1360 = arith.constant 151 : index
    %get3A_1361 = arith.constant 0 : index
    %get3A_1362 = vector.load %arg1[%get3A_1360, %get3A_1361] : memref<200x128xf32, #tpu.memory_space<vmem>>, vector<1x128xf32>
    %mul3A_1363 = vector.broadcast %get3A_1362 : vector<1x128xf32> to vector<32x128xf32>
    %mul3A_1364 = arith.mulf %get3A_1359, %mul3A_1363 : vector<32x128xf32>
    %add3A_1365 = arith.addf %add3A_1356, %mul3A_1364 : vector<32x128xf32>
    %get3A_1366 = arith.constant 0 : index
    %get3A_1367 = arith.constant 19456 : index
    %get3A_1368 = vector.load %arg2[%get3A_1366, %get3A_1367] : memref<32x25600xf32, #tpu.memory_space<vmem>>, vector<32x128xf32>
    %get3A_1369 = arith.constant 152 : index
    %get3A_1370 = arith.constant 0 : index
    %get3A_1371 = vector.load %arg1[%get3A_1369, %get3A_1370] : memref<200x128xf32, #tpu.memory_space<vmem>>, vector<1x128xf32>
    %mul3A_1372 = vector.broadcast %get3A_1371 : vector<1x128xf32> to vector<32x128xf32>
    %mul3A_1373 = arith.mulf %get3A_1368, %mul3A_1372 : vector<32x128xf32>
    %add3A_1374 = arith.addf %add3A_1365, %mul3A_1373 : vector<32x128xf32>
    %get3A_1375 = arith.constant 0 : index
    %get3A_1376 = arith.constant 19584 : index
    %get3A_1377 = vector.load %arg2[%get3A_1375, %get3A_1376] : memref<32x25600xf32, #tpu.memory_space<vmem>>, vector<32x128xf32>
    %get3A_1378 = arith.constant 153 : index
    %get3A_1379 = arith.constant 0 : index
    %get3A_1380 = vector.load %arg1[%get3A_1378, %get3A_1379] : memref<200x128xf32, #tpu.memory_space<vmem>>, vector<1x128xf32>
    %mul3A_1381 = vector.broadcast %get3A_1380 : vector<1x128xf32> to vector<32x128xf32>
    %mul3A_1382 = arith.mulf %get3A_1377, %mul3A_1381 : vector<32x128xf32>
    %add3A_1383 = arith.addf %add3A_1374, %mul3A_1382 : vector<32x128xf32>
    %get3A_1384 = arith.constant 0 : index
    %get3A_1385 = arith.constant 19712 : index
    %get3A_1386 = vector.load %arg2[%get3A_1384, %get3A_1385] : memref<32x25600xf32, #tpu.memory_space<vmem>>, vector<32x128xf32>
    %get3A_1387 = arith.constant 154 : index
    %get3A_1388 = arith.constant 0 : index
    %get3A_1389 = vector.load %arg1[%get3A_1387, %get3A_1388] : memref<200x128xf32, #tpu.memory_space<vmem>>, vector<1x128xf32>
    %mul3A_1390 = vector.broadcast %get3A_1389 : vector<1x128xf32> to vector<32x128xf32>
    %mul3A_1391 = arith.mulf %get3A_1386, %mul3A_1390 : vector<32x128xf32>
    %add3A_1392 = arith.addf %add3A_1383, %mul3A_1391 : vector<32x128xf32>
    %get3A_1393 = arith.constant 0 : index
    %get3A_1394 = arith.constant 19840 : index
    %get3A_1395 = vector.load %arg2[%get3A_1393, %get3A_1394] : memref<32x25600xf32, #tpu.memory_space<vmem>>, vector<32x128xf32>
    %get3A_1396 = arith.constant 155 : index
    %get3A_1397 = arith.constant 0 : index
    %get3A_1398 = vector.load %arg1[%get3A_1396, %get3A_1397] : memref<200x128xf32, #tpu.memory_space<vmem>>, vector<1x128xf32>
    %mul3A_1399 = vector.broadcast %get3A_1398 : vector<1x128xf32> to vector<32x128xf32>
    %mul3A_1400 = arith.mulf %get3A_1395, %mul3A_1399 : vector<32x128xf32>
    %add3A_1401 = arith.addf %add3A_1392, %mul3A_1400 : vector<32x128xf32>
    %get3A_1402 = arith.constant 0 : index
    %get3A_1403 = arith.constant 19968 : index
    %get3A_1404 = vector.load %arg2[%get3A_1402, %get3A_1403] : memref<32x25600xf32, #tpu.memory_space<vmem>>, vector<32x128xf32>
    %get3A_1405 = arith.constant 156 : index
    %get3A_1406 = arith.constant 0 : index
    %get3A_1407 = vector.load %arg1[%get3A_1405, %get3A_1406] : memref<200x128xf32, #tpu.memory_space<vmem>>, vector<1x128xf32>
    %mul3A_1408 = vector.broadcast %get3A_1407 : vector<1x128xf32> to vector<32x128xf32>
    %mul3A_1409 = arith.mulf %get3A_1404, %mul3A_1408 : vector<32x128xf32>
    %add3A_1410 = arith.addf %add3A_1401, %mul3A_1409 : vector<32x128xf32>
    %get3A_1411 = arith.constant 0 : index
    %get3A_1412 = arith.constant 20096 : index
    %get3A_1413 = vector.load %arg2[%get3A_1411, %get3A_1412] : memref<32x25600xf32, #tpu.memory_space<vmem>>, vector<32x128xf32>
    %get3A_1414 = arith.constant 157 : index
    %get3A_1415 = arith.constant 0 : index
    %get3A_1416 = vector.load %arg1[%get3A_1414, %get3A_1415] : memref<200x128xf32, #tpu.memory_space<vmem>>, vector<1x128xf32>
    %mul3A_1417 = vector.broadcast %get3A_1416 : vector<1x128xf32> to vector<32x128xf32>
    %mul3A_1418 = arith.mulf %get3A_1413, %mul3A_1417 : vector<32x128xf32>
    %add3A_1419 = arith.addf %add3A_1410, %mul3A_1418 : vector<32x128xf32>
    %get3A_1420 = arith.constant 0 : index
    %get3A_1421 = arith.constant 20224 : index
    %get3A_1422 = vector.load %arg2[%get3A_1420, %get3A_1421] : memref<32x25600xf32, #tpu.memory_space<vmem>>, vector<32x128xf32>
    %get3A_1423 = arith.constant 158 : index
    %get3A_1424 = arith.constant 0 : index
    %get3A_1425 = vector.load %arg1[%get3A_1423, %get3A_1424] : memref<200x128xf32, #tpu.memory_space<vmem>>, vector<1x128xf32>
    %mul3A_1426 = vector.broadcast %get3A_1425 : vector<1x128xf32> to vector<32x128xf32>
    %mul3A_1427 = arith.mulf %get3A_1422, %mul3A_1426 : vector<32x128xf32>
    %add3A_1428 = arith.addf %add3A_1419, %mul3A_1427 : vector<32x128xf32>
    %get3A_1429 = arith.constant 0 : index
    %get3A_1430 = arith.constant 20352 : index
    %get3A_1431 = vector.load %arg2[%get3A_1429, %get3A_1430] : memref<32x25600xf32, #tpu.memory_space<vmem>>, vector<32x128xf32>
    %get3A_1432 = arith.constant 159 : index
    %get3A_1433 = arith.constant 0 : index
    %get3A_1434 = vector.load %arg1[%get3A_1432, %get3A_1433] : memref<200x128xf32, #tpu.memory_space<vmem>>, vector<1x128xf32>
    %mul3A_1435 = vector.broadcast %get3A_1434 : vector<1x128xf32> to vector<32x128xf32>
    %mul3A_1436 = arith.mulf %get3A_1431, %mul3A_1435 : vector<32x128xf32>
    %add3A_1437 = arith.addf %add3A_1428, %mul3A_1436 : vector<32x128xf32>
    %get3A_1438 = arith.constant 0 : index
    %get3A_1439 = arith.constant 20480 : index
    %get3A_1440 = vector.load %arg2[%get3A_1438, %get3A_1439] : memref<32x25600xf32, #tpu.memory_space<vmem>>, vector<32x128xf32>
    %get3A_1441 = arith.constant 160 : index
    %get3A_1442 = arith.constant 0 : index
    %get3A_1443 = vector.load %arg1[%get3A_1441, %get3A_1442] : memref<200x128xf32, #tpu.memory_space<vmem>>, vector<1x128xf32>
    %mul3A_1444 = vector.broadcast %get3A_1443 : vector<1x128xf32> to vector<32x128xf32>
    %mul3A_1445 = arith.mulf %get3A_1440, %mul3A_1444 : vector<32x128xf32>
    %add3A_1446 = arith.addf %add3A_1437, %mul3A_1445 : vector<32x128xf32>
    %get3A_1447 = arith.constant 0 : index
    %get3A_1448 = arith.constant 20608 : index
    %get3A_1449 = vector.load %arg2[%get3A_1447, %get3A_1448] : memref<32x25600xf32, #tpu.memory_space<vmem>>, vector<32x128xf32>
    %get3A_1450 = arith.constant 161 : index
    %get3A_1451 = arith.constant 0 : index
    %get3A_1452 = vector.load %arg1[%get3A_1450, %get3A_1451] : memref<200x128xf32, #tpu.memory_space<vmem>>, vector<1x128xf32>
    %mul3A_1453 = vector.broadcast %get3A_1452 : vector<1x128xf32> to vector<32x128xf32>
    %mul3A_1454 = arith.mulf %get3A_1449, %mul3A_1453 : vector<32x128xf32>
    %add3A_1455 = arith.addf %add3A_1446, %mul3A_1454 : vector<32x128xf32>
    %get3A_1456 = arith.constant 0 : index
    %get3A_1457 = arith.constant 20736 : index
    %get3A_1458 = vector.load %arg2[%get3A_1456, %get3A_1457] : memref<32x25600xf32, #tpu.memory_space<vmem>>, vector<32x128xf32>
    %get3A_1459 = arith.constant 162 : index
    %get3A_1460 = arith.constant 0 : index
    %get3A_1461 = vector.load %arg1[%get3A_1459, %get3A_1460] : memref<200x128xf32, #tpu.memory_space<vmem>>, vector<1x128xf32>
    %mul3A_1462 = vector.broadcast %get3A_1461 : vector<1x128xf32> to vector<32x128xf32>
    %mul3A_1463 = arith.mulf %get3A_1458, %mul3A_1462 : vector<32x128xf32>
    %add3A_1464 = arith.addf %add3A_1455, %mul3A_1463 : vector<32x128xf32>
    %get3A_1465 = arith.constant 0 : index
    %get3A_1466 = arith.constant 20864 : index
    %get3A_1467 = vector.load %arg2[%get3A_1465, %get3A_1466] : memref<32x25600xf32, #tpu.memory_space<vmem>>, vector<32x128xf32>
    %get3A_1468 = arith.constant 163 : index
    %get3A_1469 = arith.constant 0 : index
    %get3A_1470 = vector.load %arg1[%get3A_1468, %get3A_1469] : memref<200x128xf32, #tpu.memory_space<vmem>>, vector<1x128xf32>
    %mul3A_1471 = vector.broadcast %get3A_1470 : vector<1x128xf32> to vector<32x128xf32>
    %mul3A_1472 = arith.mulf %get3A_1467, %mul3A_1471 : vector<32x128xf32>
    %add3A_1473 = arith.addf %add3A_1464, %mul3A_1472 : vector<32x128xf32>
    %get3A_1474 = arith.constant 0 : index
    %get3A_1475 = arith.constant 20992 : index
    %get3A_1476 = vector.load %arg2[%get3A_1474, %get3A_1475] : memref<32x25600xf32, #tpu.memory_space<vmem>>, vector<32x128xf32>
    %get3A_1477 = arith.constant 164 : index
    %get3A_1478 = arith.constant 0 : index
    %get3A_1479 = vector.load %arg1[%get3A_1477, %get3A_1478] : memref<200x128xf32, #tpu.memory_space<vmem>>, vector<1x128xf32>
    %mul3A_1480 = vector.broadcast %get3A_1479 : vector<1x128xf32> to vector<32x128xf32>
    %mul3A_1481 = arith.mulf %get3A_1476, %mul3A_1480 : vector<32x128xf32>
    %add3A_1482 = arith.addf %add3A_1473, %mul3A_1481 : vector<32x128xf32>
    %get3A_1483 = arith.constant 0 : index
    %get3A_1484 = arith.constant 21120 : index
    %get3A_1485 = vector.load %arg2[%get3A_1483, %get3A_1484] : memref<32x25600xf32, #tpu.memory_space<vmem>>, vector<32x128xf32>
    %get3A_1486 = arith.constant 165 : index
    %get3A_1487 = arith.constant 0 : index
    %get3A_1488 = vector.load %arg1[%get3A_1486, %get3A_1487] : memref<200x128xf32, #tpu.memory_space<vmem>>, vector<1x128xf32>
    %mul3A_1489 = vector.broadcast %get3A_1488 : vector<1x128xf32> to vector<32x128xf32>
    %mul3A_1490 = arith.mulf %get3A_1485, %mul3A_1489 : vector<32x128xf32>
    %add3A_1491 = arith.addf %add3A_1482, %mul3A_1490 : vector<32x128xf32>
    %get3A_1492 = arith.constant 0 : index
    %get3A_1493 = arith.constant 21248 : index
    %get3A_1494 = vector.load %arg2[%get3A_1492, %get3A_1493] : memref<32x25600xf32, #tpu.memory_space<vmem>>, vector<32x128xf32>
    %get3A_1495 = arith.constant 166 : index
    %get3A_1496 = arith.constant 0 : index
    %get3A_1497 = vector.load %arg1[%get3A_1495, %get3A_1496] : memref<200x128xf32, #tpu.memory_space<vmem>>, vector<1x128xf32>
    %mul3A_1498 = vector.broadcast %get3A_1497 : vector<1x128xf32> to vector<32x128xf32>
    %mul3A_1499 = arith.mulf %get3A_1494, %mul3A_1498 : vector<32x128xf32>
    %add3A_1500 = arith.addf %add3A_1491, %mul3A_1499 : vector<32x128xf32>
    %get3A_1501 = arith.constant 0 : index
    %get3A_1502 = arith.constant 21376 : index
    %get3A_1503 = vector.load %arg2[%get3A_1501, %get3A_1502] : memref<32x25600xf32, #tpu.memory_space<vmem>>, vector<32x128xf32>
    %get3A_1504 = arith.constant 167 : index
    %get3A_1505 = arith.constant 0 : index
    %get3A_1506 = vector.load %arg1[%get3A_1504, %get3A_1505] : memref<200x128xf32, #tpu.memory_space<vmem>>, vector<1x128xf32>
    %mul3A_1507 = vector.broadcast %get3A_1506 : vector<1x128xf32> to vector<32x128xf32>
    %mul3A_1508 = arith.mulf %get3A_1503, %mul3A_1507 : vector<32x128xf32>
    %add3A_1509 = arith.addf %add3A_1500, %mul3A_1508 : vector<32x128xf32>
    %get3A_1510 = arith.constant 0 : index
    %get3A_1511 = arith.constant 21504 : index
    %get3A_1512 = vector.load %arg2[%get3A_1510, %get3A_1511] : memref<32x25600xf32, #tpu.memory_space<vmem>>, vector<32x128xf32>
    %get3A_1513 = arith.constant 168 : index
    %get3A_1514 = arith.constant 0 : index
    %get3A_1515 = vector.load %arg1[%get3A_1513, %get3A_1514] : memref<200x128xf32, #tpu.memory_space<vmem>>, vector<1x128xf32>
    %mul3A_1516 = vector.broadcast %get3A_1515 : vector<1x128xf32> to vector<32x128xf32>
    %mul3A_1517 = arith.mulf %get3A_1512, %mul3A_1516 : vector<32x128xf32>
    %add3A_1518 = arith.addf %add3A_1509, %mul3A_1517 : vector<32x128xf32>
    %get3A_1519 = arith.constant 0 : index
    %get3A_1520 = arith.constant 21632 : index
    %get3A_1521 = vector.load %arg2[%get3A_1519, %get3A_1520] : memref<32x25600xf32, #tpu.memory_space<vmem>>, vector<32x128xf32>
    %get3A_1522 = arith.constant 169 : index
    %get3A_1523 = arith.constant 0 : index
    %get3A_1524 = vector.load %arg1[%get3A_1522, %get3A_1523] : memref<200x128xf32, #tpu.memory_space<vmem>>, vector<1x128xf32>
    %mul3A_1525 = vector.broadcast %get3A_1524 : vector<1x128xf32> to vector<32x128xf32>
    %mul3A_1526 = arith.mulf %get3A_1521, %mul3A_1525 : vector<32x128xf32>
    %add3A_1527 = arith.addf %add3A_1518, %mul3A_1526 : vector<32x128xf32>
    %get3A_1528 = arith.constant 0 : index
    %get3A_1529 = arith.constant 21760 : index
    %get3A_1530 = vector.load %arg2[%get3A_1528, %get3A_1529] : memref<32x25600xf32, #tpu.memory_space<vmem>>, vector<32x128xf32>
    %get3A_1531 = arith.constant 170 : index
    %get3A_1532 = arith.constant 0 : index
    %get3A_1533 = vector.load %arg1[%get3A_1531, %get3A_1532] : memref<200x128xf32, #tpu.memory_space<vmem>>, vector<1x128xf32>
    %mul3A_1534 = vector.broadcast %get3A_1533 : vector<1x128xf32> to vector<32x128xf32>
    %mul3A_1535 = arith.mulf %get3A_1530, %mul3A_1534 : vector<32x128xf32>
    %add3A_1536 = arith.addf %add3A_1527, %mul3A_1535 : vector<32x128xf32>
    %get3A_1537 = arith.constant 0 : index
    %get3A_1538 = arith.constant 21888 : index
    %get3A_1539 = vector.load %arg2[%get3A_1537, %get3A_1538] : memref<32x25600xf32, #tpu.memory_space<vmem>>, vector<32x128xf32>
    %get3A_1540 = arith.constant 171 : index
    %get3A_1541 = arith.constant 0 : index
    %get3A_1542 = vector.load %arg1[%get3A_1540, %get3A_1541] : memref<200x128xf32, #tpu.memory_space<vmem>>, vector<1x128xf32>
    %mul3A_1543 = vector.broadcast %get3A_1542 : vector<1x128xf32> to vector<32x128xf32>
    %mul3A_1544 = arith.mulf %get3A_1539, %mul3A_1543 : vector<32x128xf32>
    %add3A_1545 = arith.addf %add3A_1536, %mul3A_1544 : vector<32x128xf32>
    %get3A_1546 = arith.constant 0 : index
    %get3A_1547 = arith.constant 22016 : index
    %get3A_1548 = vector.load %arg2[%get3A_1546, %get3A_1547] : memref<32x25600xf32, #tpu.memory_space<vmem>>, vector<32x128xf32>
    %get3A_1549 = arith.constant 172 : index
    %get3A_1550 = arith.constant 0 : index
    %get3A_1551 = vector.load %arg1[%get3A_1549, %get3A_1550] : memref<200x128xf32, #tpu.memory_space<vmem>>, vector<1x128xf32>
    %mul3A_1552 = vector.broadcast %get3A_1551 : vector<1x128xf32> to vector<32x128xf32>
    %mul3A_1553 = arith.mulf %get3A_1548, %mul3A_1552 : vector<32x128xf32>
    %add3A_1554 = arith.addf %add3A_1545, %mul3A_1553 : vector<32x128xf32>
    %get3A_1555 = arith.constant 0 : index
    %get3A_1556 = arith.constant 22144 : index
    %get3A_1557 = vector.load %arg2[%get3A_1555, %get3A_1556] : memref<32x25600xf32, #tpu.memory_space<vmem>>, vector<32x128xf32>
    %get3A_1558 = arith.constant 173 : index
    %get3A_1559 = arith.constant 0 : index
    %get3A_1560 = vector.load %arg1[%get3A_1558, %get3A_1559] : memref<200x128xf32, #tpu.memory_space<vmem>>, vector<1x128xf32>
    %mul3A_1561 = vector.broadcast %get3A_1560 : vector<1x128xf32> to vector<32x128xf32>
    %mul3A_1562 = arith.mulf %get3A_1557, %mul3A_1561 : vector<32x128xf32>
    %add3A_1563 = arith.addf %add3A_1554, %mul3A_1562 : vector<32x128xf32>
    %get3A_1564 = arith.constant 0 : index
    %get3A_1565 = arith.constant 22272 : index
    %get3A_1566 = vector.load %arg2[%get3A_1564, %get3A_1565] : memref<32x25600xf32, #tpu.memory_space<vmem>>, vector<32x128xf32>
    %get3A_1567 = arith.constant 174 : index
    %get3A_1568 = arith.constant 0 : index
    %get3A_1569 = vector.load %arg1[%get3A_1567, %get3A_1568] : memref<200x128xf32, #tpu.memory_space<vmem>>, vector<1x128xf32>
    %mul3A_1570 = vector.broadcast %get3A_1569 : vector<1x128xf32> to vector<32x128xf32>
    %mul3A_1571 = arith.mulf %get3A_1566, %mul3A_1570 : vector<32x128xf32>
    %add3A_1572 = arith.addf %add3A_1563, %mul3A_1571 : vector<32x128xf32>
    %get3A_1573 = arith.constant 0 : index
    %get3A_1574 = arith.constant 22400 : index
    %get3A_1575 = vector.load %arg2[%get3A_1573, %get3A_1574] : memref<32x25600xf32, #tpu.memory_space<vmem>>, vector<32x128xf32>
    %get3A_1576 = arith.constant 175 : index
    %get3A_1577 = arith.constant 0 : index
    %get3A_1578 = vector.load %arg1[%get3A_1576, %get3A_1577] : memref<200x128xf32, #tpu.memory_space<vmem>>, vector<1x128xf32>
    %mul3A_1579 = vector.broadcast %get3A_1578 : vector<1x128xf32> to vector<32x128xf32>
    %mul3A_1580 = arith.mulf %get3A_1575, %mul3A_1579 : vector<32x128xf32>
    %add3A_1581 = arith.addf %add3A_1572, %mul3A_1580 : vector<32x128xf32>
    %get3A_1582 = arith.constant 0 : index
    %get3A_1583 = arith.constant 22528 : index
    %get3A_1584 = vector.load %arg2[%get3A_1582, %get3A_1583] : memref<32x25600xf32, #tpu.memory_space<vmem>>, vector<32x128xf32>
    %get3A_1585 = arith.constant 176 : index
    %get3A_1586 = arith.constant 0 : index
    %get3A_1587 = vector.load %arg1[%get3A_1585, %get3A_1586] : memref<200x128xf32, #tpu.memory_space<vmem>>, vector<1x128xf32>
    %mul3A_1588 = vector.broadcast %get3A_1587 : vector<1x128xf32> to vector<32x128xf32>
    %mul3A_1589 = arith.mulf %get3A_1584, %mul3A_1588 : vector<32x128xf32>
    %add3A_1590 = arith.addf %add3A_1581, %mul3A_1589 : vector<32x128xf32>
    %get3A_1591 = arith.constant 0 : index
    %get3A_1592 = arith.constant 22656 : index
    %get3A_1593 = vector.load %arg2[%get3A_1591, %get3A_1592] : memref<32x25600xf32, #tpu.memory_space<vmem>>, vector<32x128xf32>
    %get3A_1594 = arith.constant 177 : index
    %get3A_1595 = arith.constant 0 : index
    %get3A_1596 = vector.load %arg1[%get3A_1594, %get3A_1595] : memref<200x128xf32, #tpu.memory_space<vmem>>, vector<1x128xf32>
    %mul3A_1597 = vector.broadcast %get3A_1596 : vector<1x128xf32> to vector<32x128xf32>
    %mul3A_1598 = arith.mulf %get3A_1593, %mul3A_1597 : vector<32x128xf32>
    %add3A_1599 = arith.addf %add3A_1590, %mul3A_1598 : vector<32x128xf32>
    %get3A_1600 = arith.constant 0 : index
    %get3A_1601 = arith.constant 22784 : index
    %get3A_1602 = vector.load %arg2[%get3A_1600, %get3A_1601] : memref<32x25600xf32, #tpu.memory_space<vmem>>, vector<32x128xf32>
    %get3A_1603 = arith.constant 178 : index
    %get3A_1604 = arith.constant 0 : index
    %get3A_1605 = vector.load %arg1[%get3A_1603, %get3A_1604] : memref<200x128xf32, #tpu.memory_space<vmem>>, vector<1x128xf32>
    %mul3A_1606 = vector.broadcast %get3A_1605 : vector<1x128xf32> to vector<32x128xf32>
    %mul3A_1607 = arith.mulf %get3A_1602, %mul3A_1606 : vector<32x128xf32>
    %add3A_1608 = arith.addf %add3A_1599, %mul3A_1607 : vector<32x128xf32>
    %get3A_1609 = arith.constant 0 : index
    %get3A_1610 = arith.constant 22912 : index
    %get3A_1611 = vector.load %arg2[%get3A_1609, %get3A_1610] : memref<32x25600xf32, #tpu.memory_space<vmem>>, vector<32x128xf32>
    %get3A_1612 = arith.constant 179 : index
    %get3A_1613 = arith.constant 0 : index
    %get3A_1614 = vector.load %arg1[%get3A_1612, %get3A_1613] : memref<200x128xf32, #tpu.memory_space<vmem>>, vector<1x128xf32>
    %mul3A_1615 = vector.broadcast %get3A_1614 : vector<1x128xf32> to vector<32x128xf32>
    %mul3A_1616 = arith.mulf %get3A_1611, %mul3A_1615 : vector<32x128xf32>
    %add3A_1617 = arith.addf %add3A_1608, %mul3A_1616 : vector<32x128xf32>
    %get3A_1618 = arith.constant 0 : index
    %get3A_1619 = arith.constant 23040 : index
    %get3A_1620 = vector.load %arg2[%get3A_1618, %get3A_1619] : memref<32x25600xf32, #tpu.memory_space<vmem>>, vector<32x128xf32>
    %get3A_1621 = arith.constant 180 : index
    %get3A_1622 = arith.constant 0 : index
    %get3A_1623 = vector.load %arg1[%get3A_1621, %get3A_1622] : memref<200x128xf32, #tpu.memory_space<vmem>>, vector<1x128xf32>
    %mul3A_1624 = vector.broadcast %get3A_1623 : vector<1x128xf32> to vector<32x128xf32>
    %mul3A_1625 = arith.mulf %get3A_1620, %mul3A_1624 : vector<32x128xf32>
    %add3A_1626 = arith.addf %add3A_1617, %mul3A_1625 : vector<32x128xf32>
    %get3A_1627 = arith.constant 0 : index
    %get3A_1628 = arith.constant 23168 : index
    %get3A_1629 = vector.load %arg2[%get3A_1627, %get3A_1628] : memref<32x25600xf32, #tpu.memory_space<vmem>>, vector<32x128xf32>
    %get3A_1630 = arith.constant 181 : index
    %get3A_1631 = arith.constant 0 : index
    %get3A_1632 = vector.load %arg1[%get3A_1630, %get3A_1631] : memref<200x128xf32, #tpu.memory_space<vmem>>, vector<1x128xf32>
    %mul3A_1633 = vector.broadcast %get3A_1632 : vector<1x128xf32> to vector<32x128xf32>
    %mul3A_1634 = arith.mulf %get3A_1629, %mul3A_1633 : vector<32x128xf32>
    %add3A_1635 = arith.addf %add3A_1626, %mul3A_1634 : vector<32x128xf32>
    %get3A_1636 = arith.constant 0 : index
    %get3A_1637 = arith.constant 23296 : index
    %get3A_1638 = vector.load %arg2[%get3A_1636, %get3A_1637] : memref<32x25600xf32, #tpu.memory_space<vmem>>, vector<32x128xf32>
    %get3A_1639 = arith.constant 182 : index
    %get3A_1640 = arith.constant 0 : index
    %get3A_1641 = vector.load %arg1[%get3A_1639, %get3A_1640] : memref<200x128xf32, #tpu.memory_space<vmem>>, vector<1x128xf32>
    %mul3A_1642 = vector.broadcast %get3A_1641 : vector<1x128xf32> to vector<32x128xf32>
    %mul3A_1643 = arith.mulf %get3A_1638, %mul3A_1642 : vector<32x128xf32>
    %add3A_1644 = arith.addf %add3A_1635, %mul3A_1643 : vector<32x128xf32>
    %get3A_1645 = arith.constant 0 : index
    %get3A_1646 = arith.constant 23424 : index
    %get3A_1647 = vector.load %arg2[%get3A_1645, %get3A_1646] : memref<32x25600xf32, #tpu.memory_space<vmem>>, vector<32x128xf32>
    %get3A_1648 = arith.constant 183 : index
    %get3A_1649 = arith.constant 0 : index
    %get3A_1650 = vector.load %arg1[%get3A_1648, %get3A_1649] : memref<200x128xf32, #tpu.memory_space<vmem>>, vector<1x128xf32>
    %mul3A_1651 = vector.broadcast %get3A_1650 : vector<1x128xf32> to vector<32x128xf32>
    %mul3A_1652 = arith.mulf %get3A_1647, %mul3A_1651 : vector<32x128xf32>
    %add3A_1653 = arith.addf %add3A_1644, %mul3A_1652 : vector<32x128xf32>
    %get3A_1654 = arith.constant 0 : index
    %get3A_1655 = arith.constant 23552 : index
    %get3A_1656 = vector.load %arg2[%get3A_1654, %get3A_1655] : memref<32x25600xf32, #tpu.memory_space<vmem>>, vector<32x128xf32>
    %get3A_1657 = arith.constant 184 : index
    %get3A_1658 = arith.constant 0 : index
    %get3A_1659 = vector.load %arg1[%get3A_1657, %get3A_1658] : memref<200x128xf32, #tpu.memory_space<vmem>>, vector<1x128xf32>
    %mul3A_1660 = vector.broadcast %get3A_1659 : vector<1x128xf32> to vector<32x128xf32>
    %mul3A_1661 = arith.mulf %get3A_1656, %mul3A_1660 : vector<32x128xf32>
    %add3A_1662 = arith.addf %add3A_1653, %mul3A_1661 : vector<32x128xf32>
    %get3A_1663 = arith.constant 0 : index
    %get3A_1664 = arith.constant 23680 : index
    %get3A_1665 = vector.load %arg2[%get3A_1663, %get3A_1664] : memref<32x25600xf32, #tpu.memory_space<vmem>>, vector<32x128xf32>
    %get3A_1666 = arith.constant 185 : index
    %get3A_1667 = arith.constant 0 : index
    %get3A_1668 = vector.load %arg1[%get3A_1666, %get3A_1667] : memref<200x128xf32, #tpu.memory_space<vmem>>, vector<1x128xf32>
    %mul3A_1669 = vector.broadcast %get3A_1668 : vector<1x128xf32> to vector<32x128xf32>
    %mul3A_1670 = arith.mulf %get3A_1665, %mul3A_1669 : vector<32x128xf32>
    %add3A_1671 = arith.addf %add3A_1662, %mul3A_1670 : vector<32x128xf32>
    %get3A_1672 = arith.constant 0 : index
    %get3A_1673 = arith.constant 23808 : index
    %get3A_1674 = vector.load %arg2[%get3A_1672, %get3A_1673] : memref<32x25600xf32, #tpu.memory_space<vmem>>, vector<32x128xf32>
    %get3A_1675 = arith.constant 186 : index
    %get3A_1676 = arith.constant 0 : index
    %get3A_1677 = vector.load %arg1[%get3A_1675, %get3A_1676] : memref<200x128xf32, #tpu.memory_space<vmem>>, vector<1x128xf32>
    %mul3A_1678 = vector.broadcast %get3A_1677 : vector<1x128xf32> to vector<32x128xf32>
    %mul3A_1679 = arith.mulf %get3A_1674, %mul3A_1678 : vector<32x128xf32>
    %add3A_1680 = arith.addf %add3A_1671, %mul3A_1679 : vector<32x128xf32>
    %get3A_1681 = arith.constant 0 : index
    %get3A_1682 = arith.constant 23936 : index
    %get3A_1683 = vector.load %arg2[%get3A_1681, %get3A_1682] : memref<32x25600xf32, #tpu.memory_space<vmem>>, vector<32x128xf32>
    %get3A_1684 = arith.constant 187 : index
    %get3A_1685 = arith.constant 0 : index
    %get3A_1686 = vector.load %arg1[%get3A_1684, %get3A_1685] : memref<200x128xf32, #tpu.memory_space<vmem>>, vector<1x128xf32>
    %mul3A_1687 = vector.broadcast %get3A_1686 : vector<1x128xf32> to vector<32x128xf32>
    %mul3A_1688 = arith.mulf %get3A_1683, %mul3A_1687 : vector<32x128xf32>
    %add3A_1689 = arith.addf %add3A_1680, %mul3A_1688 : vector<32x128xf32>
    %get3A_1690 = arith.constant 0 : index
    %get3A_1691 = arith.constant 24064 : index
    %get3A_1692 = vector.load %arg2[%get3A_1690, %get3A_1691] : memref<32x25600xf32, #tpu.memory_space<vmem>>, vector<32x128xf32>
    %get3A_1693 = arith.constant 188 : index
    %get3A_1694 = arith.constant 0 : index
    %get3A_1695 = vector.load %arg1[%get3A_1693, %get3A_1694] : memref<200x128xf32, #tpu.memory_space<vmem>>, vector<1x128xf32>
    %mul3A_1696 = vector.broadcast %get3A_1695 : vector<1x128xf32> to vector<32x128xf32>
    %mul3A_1697 = arith.mulf %get3A_1692, %mul3A_1696 : vector<32x128xf32>
    %add3A_1698 = arith.addf %add3A_1689, %mul3A_1697 : vector<32x128xf32>
    %get3A_1699 = arith.constant 0 : index
    %get3A_1700 = arith.constant 24192 : index
    %get3A_1701 = vector.load %arg2[%get3A_1699, %get3A_1700] : memref<32x25600xf32, #tpu.memory_space<vmem>>, vector<32x128xf32>
    %get3A_1702 = arith.constant 189 : index
    %get3A_1703 = arith.constant 0 : index
    %get3A_1704 = vector.load %arg1[%get3A_1702, %get3A_1703] : memref<200x128xf32, #tpu.memory_space<vmem>>, vector<1x128xf32>
    %mul3A_1705 = vector.broadcast %get3A_1704 : vector<1x128xf32> to vector<32x128xf32>
    %mul3A_1706 = arith.mulf %get3A_1701, %mul3A_1705 : vector<32x128xf32>
    %add3A_1707 = arith.addf %add3A_1698, %mul3A_1706 : vector<32x128xf32>
    %get3A_1708 = arith.constant 0 : index
    %get3A_1709 = arith.constant 24320 : index
    %get3A_1710 = vector.load %arg2[%get3A_1708, %get3A_1709] : memref<32x25600xf32, #tpu.memory_space<vmem>>, vector<32x128xf32>
    %get3A_1711 = arith.constant 190 : index
    %get3A_1712 = arith.constant 0 : index
    %get3A_1713 = vector.load %arg1[%get3A_1711, %get3A_1712] : memref<200x128xf32, #tpu.memory_space<vmem>>, vector<1x128xf32>
    %mul3A_1714 = vector.broadcast %get3A_1713 : vector<1x128xf32> to vector<32x128xf32>
    %mul3A_1715 = arith.mulf %get3A_1710, %mul3A_1714 : vector<32x128xf32>
    %add3A_1716 = arith.addf %add3A_1707, %mul3A_1715 : vector<32x128xf32>
    %get3A_1717 = arith.constant 0 : index
    %get3A_1718 = arith.constant 24448 : index
    %get3A_1719 = vector.load %arg2[%get3A_1717, %get3A_1718] : memref<32x25600xf32, #tpu.memory_space<vmem>>, vector<32x128xf32>
    %get3A_1720 = arith.constant 191 : index
    %get3A_1721 = arith.constant 0 : index
    %get3A_1722 = vector.load %arg1[%get3A_1720, %get3A_1721] : memref<200x128xf32, #tpu.memory_space<vmem>>, vector<1x128xf32>
    %mul3A_1723 = vector.broadcast %get3A_1722 : vector<1x128xf32> to vector<32x128xf32>
    %mul3A_1724 = arith.mulf %get3A_1719, %mul3A_1723 : vector<32x128xf32>
    %add3A_1725 = arith.addf %add3A_1716, %mul3A_1724 : vector<32x128xf32>
    %get3A_1726 = arith.constant 0 : index
    %get3A_1727 = arith.constant 24576 : index
    %get3A_1728 = vector.load %arg2[%get3A_1726, %get3A_1727] : memref<32x25600xf32, #tpu.memory_space<vmem>>, vector<32x128xf32>
    %get3A_1729 = arith.constant 192 : index
    %get3A_1730 = arith.constant 0 : index
    %get3A_1731 = vector.load %arg1[%get3A_1729, %get3A_1730] : memref<200x128xf32, #tpu.memory_space<vmem>>, vector<1x128xf32>
    %mul3A_1732 = vector.broadcast %get3A_1731 : vector<1x128xf32> to vector<32x128xf32>
    %mul3A_1733 = arith.mulf %get3A_1728, %mul3A_1732 : vector<32x128xf32>
    %add3A_1734 = arith.addf %add3A_1725, %mul3A_1733 : vector<32x128xf32>
    %get3A_1735 = arith.constant 0 : index
    %get3A_1736 = arith.constant 24704 : index
    %get3A_1737 = vector.load %arg2[%get3A_1735, %get3A_1736] : memref<32x25600xf32, #tpu.memory_space<vmem>>, vector<32x128xf32>
    %get3A_1738 = arith.constant 193 : index
    %get3A_1739 = arith.constant 0 : index
    %get3A_1740 = vector.load %arg1[%get3A_1738, %get3A_1739] : memref<200x128xf32, #tpu.memory_space<vmem>>, vector<1x128xf32>
    %mul3A_1741 = vector.broadcast %get3A_1740 : vector<1x128xf32> to vector<32x128xf32>
    %mul3A_1742 = arith.mulf %get3A_1737, %mul3A_1741 : vector<32x128xf32>
    %add3A_1743 = arith.addf %add3A_1734, %mul3A_1742 : vector<32x128xf32>
    %get3A_1744 = arith.constant 0 : index
    %get3A_1745 = arith.constant 24832 : index
    %get3A_1746 = vector.load %arg2[%get3A_1744, %get3A_1745] : memref<32x25600xf32, #tpu.memory_space<vmem>>, vector<32x128xf32>
    %get3A_1747 = arith.constant 194 : index
    %get3A_1748 = arith.constant 0 : index
    %get3A_1749 = vector.load %arg1[%get3A_1747, %get3A_1748] : memref<200x128xf32, #tpu.memory_space<vmem>>, vector<1x128xf32>
    %mul3A_1750 = vector.broadcast %get3A_1749 : vector<1x128xf32> to vector<32x128xf32>
    %mul3A_1751 = arith.mulf %get3A_1746, %mul3A_1750 : vector<32x128xf32>
    %add3A_1752 = arith.addf %add3A_1743, %mul3A_1751 : vector<32x128xf32>
    %get3A_1753 = arith.constant 0 : index
    %get3A_1754 = arith.constant 24960 : index
    %get3A_1755 = vector.load %arg2[%get3A_1753, %get3A_1754] : memref<32x25600xf32, #tpu.memory_space<vmem>>, vector<32x128xf32>
    %get3A_1756 = arith.constant 195 : index
    %get3A_1757 = arith.constant 0 : index
    %get3A_1758 = vector.load %arg1[%get3A_1756, %get3A_1757] : memref<200x128xf32, #tpu.memory_space<vmem>>, vector<1x128xf32>
    %mul3A_1759 = vector.broadcast %get3A_1758 : vector<1x128xf32> to vector<32x128xf32>
    %mul3A_1760 = arith.mulf %get3A_1755, %mul3A_1759 : vector<32x128xf32>
    %add3A_1761 = arith.addf %add3A_1752, %mul3A_1760 : vector<32x128xf32>
    %get3A_1762 = arith.constant 0 : index
    %get3A_1763 = arith.constant 25088 : index
    %get3A_1764 = vector.load %arg2[%get3A_1762, %get3A_1763] : memref<32x25600xf32, #tpu.memory_space<vmem>>, vector<32x128xf32>
    %get3A_1765 = arith.constant 196 : index
    %get3A_1766 = arith.constant 0 : index
    %get3A_1767 = vector.load %arg1[%get3A_1765, %get3A_1766] : memref<200x128xf32, #tpu.memory_space<vmem>>, vector<1x128xf32>
    %mul3A_1768 = vector.broadcast %get3A_1767 : vector<1x128xf32> to vector<32x128xf32>
    %mul3A_1769 = arith.mulf %get3A_1764, %mul3A_1768 : vector<32x128xf32>
    %add3A_1770 = arith.addf %add3A_1761, %mul3A_1769 : vector<32x128xf32>
    %get3A_1771 = arith.constant 0 : index
    %get3A_1772 = arith.constant 25216 : index
    %get3A_1773 = vector.load %arg2[%get3A_1771, %get3A_1772] : memref<32x25600xf32, #tpu.memory_space<vmem>>, vector<32x128xf32>
    %get3A_1774 = arith.constant 197 : index
    %get3A_1775 = arith.constant 0 : index
    %get3A_1776 = vector.load %arg1[%get3A_1774, %get3A_1775] : memref<200x128xf32, #tpu.memory_space<vmem>>, vector<1x128xf32>
    %mul3A_1777 = vector.broadcast %get3A_1776 : vector<1x128xf32> to vector<32x128xf32>
    %mul3A_1778 = arith.mulf %get3A_1773, %mul3A_1777 : vector<32x128xf32>
    %add3A_1779 = arith.addf %add3A_1770, %mul3A_1778 : vector<32x128xf32>
    %get3A_1780 = arith.constant 0 : index
    %get3A_1781 = arith.constant 25344 : index
    %get3A_1782 = vector.load %arg2[%get3A_1780, %get3A_1781] : memref<32x25600xf32, #tpu.memory_space<vmem>>, vector<32x128xf32>
    %get3A_1783 = arith.constant 198 : index
    %get3A_1784 = arith.constant 0 : index
    %get3A_1785 = vector.load %arg1[%get3A_1783, %get3A_1784] : memref<200x128xf32, #tpu.memory_space<vmem>>, vector<1x128xf32>
    %mul3A_1786 = vector.broadcast %get3A_1785 : vector<1x128xf32> to vector<32x128xf32>
    %mul3A_1787 = arith.mulf %get3A_1782, %mul3A_1786 : vector<32x128xf32>
    %add3A_1788 = arith.addf %add3A_1779, %mul3A_1787 : vector<32x128xf32>
    %get3A_1789 = arith.constant 0 : index
    %get3A_1790 = arith.constant 25472 : index
    %get3A_1791 = vector.load %arg2[%get3A_1789, %get3A_1790] : memref<32x25600xf32, #tpu.memory_space<vmem>>, vector<32x128xf32>
    %get3A_1792 = arith.constant 199 : index
    %get3A_1793 = arith.constant 0 : index
    %get3A_1794 = vector.load %arg1[%get3A_1792, %get3A_1793] : memref<200x128xf32, #tpu.memory_space<vmem>>, vector<1x128xf32>
    %mul3A_1795 = vector.broadcast %get3A_1794 : vector<1x128xf32> to vector<32x128xf32>
    %mul3A_1796 = arith.mulf %get3A_1791, %mul3A_1795 : vector<32x128xf32>
    %add3A_1797 = arith.addf %add3A_1788, %mul3A_1796 : vector<32x128xf32>
    %mul3A_1798 = arith.constant 32 : i32
    %mul3A_1799 = arith.muli %arg0, %mul3A_1798 : i32
    %swap3A = arith.index_cast %mul3A_1799 : i32 to index
    %swap3A_1800 = arith.constant 0 : index
    %swap3A_1801 = vector.load %arg9[%swap3A, %swap3A_1800] : memref<256x128xf32, #tpu.memory_space<vmem>>, vector<32x128xf32>
    tpu.vector_store %arg9[%swap3A, %swap3A_1800], %add3A_1797 {strides = array<i32>} : memref<256x128xf32, #tpu.memory_space<vmem>>, vector<32x128xf32>,
    %eq3A = arith.constant 7 : i32
    %eq3A_1802 = arith.cmpi eq, %arg0, %eq3A : i32
    %convert_element_type3A = arith.extui %eq3A_1802 : i1 to i32
    %cond3A = arith.constant 0 : i32
    %cond3A_1803 = arith.cmpi ne, %convert_element_type3A, %cond3A : i32
    scf.if %cond3A_1803 {
      %get3A_1804 = arith.constant 0 : index
      %get3A_1805 = arith.constant 0 : index
      %get3A_1806 = vector.load %arg9[%get3A_1804, %get3A_1805] : memref<256x128xf32, #tpu.memory_space<vmem>>, vector<256x128xf32>
      %transpose3A = tpu.transpose %get3A_1806, [1, 0] : vector<256x128xf32> -> vector<128x256xf32>
      %reduce_sum3A = arith.constant dense<0.000000e+00> : vector<256xf32>
      %reduce_sum3A_1807 = vector.multi_reduction <add>, %transpose3A, %reduce_sum3A [0] : vector<128x256xf32> to vector<256xf32>
      %broadcast_in_dim3A_1808 = vector.shape_cast %reduce_sum3A_1807 : vector<256xf32> to vector<1x256xf32>
      %get3A_1809 = arith.constant 0 : index
      %get3A_1810 = vector.load %arg5[%get3A_1809] : memref<256xf32, #tpu.memory_space<vmem>>, vector<256xf32>
      %reshape3A = vector.shape_cast %get3A_1810 : vector<256xf32> to vector<1x256xf32>
      %add3A_1811 = arith.addf %broadcast_in_dim3A_1808, %reshape3A : vector<1x256xf32>
      %max3A = arith.constant 0.000000e+00 : f32
      %max3A_1812 = vector.broadcast %max3A : f32 to vector<1x256xf32>
      %max3A_1813 = arith.maximumf %add3A_1811, %max3A_1812 : vector<1x256xf32>
      %get3A_1814 = arith.constant 0 : index
      %get3A_1815 = arith.constant 0 : index
      %get3A_1816 = vector.load %arg3[%get3A_1814, %get3A_1815] : memref<128x256xf32, #tpu.memory_space<vmem>>, vector<128x256xf32>
      %dot_general3A = arith.constant dense<0.000000e+00> : vector<1x128xf32>
      %dot_general3A_1817 = tpu.matmul %max3A_1813, %get3A_1816, %dot_general3A {dimension_numbers = #tpu.dot_dimension_numbers<[1], [1], [0], [0], [0, 0, 1, 0], [], []>, transpose_lhs_hint = false} : vector<1x256xf32>, vector<128x256xf32>, vector<1x128xf32> -> vector<1x128xf32>
      %get3A_1818 = arith.constant 0 : index
      %get3A_1819 = vector.load %arg6[%get3A_1818] : memref<128xf32, #tpu.memory_space<vmem>>, vector<128xf32>
      %reshape3A_1820 = vector.shape_cast %get3A_1819 : vector<128xf32> to vector<1x128xf32>
      %add3A_1821 = arith.addf %dot_general3A_1817, %reshape3A_1820 : vector<1x128xf32>
      %max3A_1822 = arith.constant 0.000000e+00 : f32
      %max3A_1823 = vector.broadcast %max3A_1822 : f32 to vector<1x128xf32>
      %max3A_1824 = arith.maximumf %add3A_1821, %max3A_1823 : vector<1x128xf32>
      %get3A_1825 = arith.constant 0 : index
      %get3A_1826 = arith.constant 0 : index
      %get3A_1827 = vector.load %arg4[%get3A_1825, %get3A_1826] : memref<1000x128xf32, #tpu.memory_space<vmem>>, vector<1000x128xf32>
      %dot_general3A_1828 = arith.constant dense<0.000000e+00> : vector<1x1000xf32>
      %dot_general3A_1829 = tpu.matmul %max3A_1824, %get3A_1827, %dot_general3A_1828 {dimension_numbers = #tpu.dot_dimension_numbers<[1], [1], [0], [0], [0, 0, 1, 0], [], []>, transpose_lhs_hint = false} : vector<1x128xf32>, vector<1000x128xf32>, vector<1x1000xf32> -> vector<1x1000xf32>
      %get3A_1830 = arith.constant 0 : index
      %get3A_1831 = vector.load %arg7[%get3A_1830] : memref<1000xf32, #tpu.memory_space<vmem>>, vector<1000xf32>
      %reshape3A_1832 = vector.shape_cast %get3A_1831 : vector<1000xf32> to vector<1x1000xf32>
      %add3A_1833 = arith.addf %dot_general3A_1829, %reshape3A_1832 : vector<1x1000xf32>
      %reduce_max3A = arith.constant dense<0xFF800000> : vector<1xf32>
      %reduce_max3A_1834 = vector.multi_reduction <maximumf>, %add3A_1833, %reduce_max3A [1] : vector<1x1000xf32> to vector<1xf32>
      %broadcast_in_dim3A_1835 = vector.shape_cast %reduce_max3A_1834 : vector<1xf32> to vector<1x1xf32>
      %sub3A = vector.broadcast %broadcast_in_dim3A_1835 : vector<1x1xf32> to vector<1x1000xf32>
      %sub3A_1836 = arith.subf %add3A_1833, %sub3A : vector<1x1000xf32>
      %exp3A = math.exp %sub3A_1836 : vector<1x1000xf32>
      %reduce_sum3A_1837 = arith.constant dense<0.000000e+00> : vector<1xf32>
      %reduce_sum3A_1838 = vector.multi_reduction <add>, %exp3A, %reduce_sum3A_1837 [1] : vector<1x1000xf32> to vector<1xf32>
      %broadcast_in_dim3A_1839 = vector.shape_cast %reduce_sum3A_1838 : vector<1xf32> to vector<1x1xf32>
      %sub3A_1840 = vector.broadcast %broadcast_in_dim3A_1835 : vector<1x1xf32> to vector<1x1000xf32>
      %sub3A_1841 = arith.subf %add3A_1833, %sub3A_1840 : vector<1x1000xf32>
      %log3A = math.log %broadcast_in_dim3A_1839 : vector<1x1xf32>
      %sub3A_1842 = vector.broadcast %log3A : vector<1x1xf32> to vector<1x1000xf32>
      %sub3A_1843 = arith.subf %sub3A_1841, %sub3A_1842 : vector<1x1000xf32>
      %swap3A_1844 = arith.constant 0 : index
      %swap3A_1845 = arith.constant 0 : index
      %swap3A_1846 = vector.load %arg8[%swap3A_1844, %swap3A_1845] : memref<1x1000xf32, #tpu.memory_space<vmem>>, vector<1x1000xf32>
      tpu.vector_store %arg8[%swap3A_1844, %swap3A_1845], %sub3A_1843 {strides = array<i32>} : memref<1x1000xf32, #tpu.memory_space<vmem>>, vector<1x1000xf32>,
    } else {
    }
    return
  }
  func.func @transform_0(%arg0: i32) -> (i32, i32) {
    %c0_i32 = arith.constant 0 : i32
    %c0_i32_0 = arith.constant 0 : i32
    %c0_i32_1 = arith.constant 0 : i32
    return %c0_i32, %c0_i32_0 : i32, i32
  }
  func.func @transform_1(%arg0: i32) -> (i32, i32) {
    %c0_i32 = arith.constant 0 : i32
    %c0_i32_0 = arith.constant 0 : i32
    return %arg0, %c0_i32 : i32, i32
  }
  func.func @transform_2(%arg0: i32) -> (i32, i32) {
    %c0_i32 = arith.constant 0 : i32
    %c0_i32_0 = arith.constant 0 : i32
    %c0_i32_1 = arith.constant 0 : i32
    return %c0_i32, %c0_i32_0 : i32, i32
  }
  func.func @transform_3(%arg0: i32) -> (i32, i32) {
    %c0_i32 = arith.constant 0 : i32
    %c0_i32_0 = arith.constant 0 : i32
    %c0_i32_1 = arith.constant 0 : i32
    return %c0_i32, %c0_i32_0 : i32, i32
  }
  func.func @transform_4(%arg0: i32) -> i32 {
    %c0_i32 = arith.constant 0 : i32
    %c0_i32_0 = arith.constant 0 : i32
    return %c0_i32 : i32
  }
  func.func @transform_5(%arg0: i32) -> i32 {
    %c0_i32 = arith.constant 0 : i32
    %c0_i32_0 = arith.constant 0 : i32
    return %c0_i32 : i32
  }
  func.func @transform_6(%arg0: i32) -> i32 {
    %c0_i32 = arith.constant 0 : i32
    %c0_i32_0 = arith.constant 0 : i32
    return %c0_i32 : i32
  }
  func.func @transform_7(%arg0: i32) -> (i32, i32) {
    %c0_i32 = arith.constant 0 : i32
    %c0_i32_0 = arith.constant 0 : i32
    %c0_i32_1 = arith.constant 0 : i32
    return %c0_i32, %c0_i32_0 : i32, i32
  }
}

</mosaic_0001>

<sc_bundles>
// kernel: kernel.4.cloned.1.call-start
scs
__scs_entry_jumppad:
0x0: {  	(pc) =	sbr.rel $0x88, $3  }
0x1: {  	(tag) =	ssettag $0x0;
	lr =	simm.s32 $0x1  }
0x2: {  	[smem:$0x3F99] =	sst lr;
	_ =	strace $0xD0000000  }
0x3: {  	_ = 	snop  }
0x4: {  	_ = 	snop  }
0x5: {  	_ = 	snop  }
0x6: {  	_ = 	snop  }
0x7: {  	_ = 	snop  }
__scs_overlays_trampoline_lowered:
0x8: {  	[smem:$0x3FA8] =	sst s0  }
0x9: {  	[smem:$0x3FA9] =	sst s1  }
0xa: {  	[smem:$0x3FAA] =	sst s2  }
0xb: {  	[smem:$0x3FAB] =	sst s3  }
0xc: {  	[smem:$0x3FAC] =	sst s4  }
0xd: {  	[smem:$0x3FAD] =	sst s5  }
0xe: {  	[smem:$0x3FAE] =	sst s6  }
0xf: {  	[smem:$0x3FAF] =	sst s7  }
0x10: {  	[smem:$0x3FB0] =	sst s8  }
0x11: {  	[smem:$0x3FB1] =	sst s9;
	s0 =	simm.s32 @!p0 $0x0  }
0x12: {  	s1 =	sld [smem:$0x3F97];
	s0 =	simm.s32 @p0 $0x1  }
0x13: {  	[smem:$0x3FB2] =	sst s0;
	s0 =	simm.s32 @!p1 $0x0  }
0x14: {  	s2 =	sld [smem:$0x3F96];
	s0 =	simm.s32 @p1 $0x1  }
0x15: {  	[smem:$0x3FB3] =	sst s0;
	s0 =	simm.s32 @!p2 $0x0  }
0x16: {  	s3 =	sld [smem:$0x3FDB];
	s0 =	simm.s32 @p2 $0x1  }
0x17: {  	s4 =	simm.s32 $0x1BF5;
	[smem:$0x3FB5] =	sst s0  }
0x18: {  	s0 =	sld [smem:$0x3F98];
	_ =	swait.ge [sflag:s4], $0x0  }
0x19: {  	s7 =	sld [smem:$0x3F99]  }
0x1a: {  	s8 =	sadd.s32 $0xFFFFE003, lr  }
0x1b: {  	s9 =	sadd.s32 $0xFFFFFEF7, lr;
	s5 =	simm.s32 $0xFFFFFFFF;
	p2 =	slt.u32 s8, $0xFFFFF086  }
0x1c: {  	p1 =	slt.u32 s9, $0xF7A;
	s5 =	simm.s32 @!p2 $0x0  }
0x1d: {  	s5 =	simm.s32 @p1 $0x1;
	p0 =	seq.s32 s7, s2  }
0x1e: {  	s7 =	smul.u32 @!p0 $0xF7A, s2;
	p2 =	seq.s32 @!p0 s5, $0x0  }
0x1f: {  	s9 =	smul.u32 $0xF7A, s1;
	s8 =	simm.s32 @!p0 $0x1BF5;
	p2 =	por !p2, p0  }
0x20: {  	[sflag:s8] =	ssyncset.s32 @!p0 $0xFFFFF086;
	s6 =	sadd.s32 @!p0 s3, s7;
	s7 =	simm.s32 @!p0 $0x108  }
0x21: {  	s3 =	sadd.s32 s3, s9;
	s6 =	sadd.s32 @!p0 $0x88, s6;
	s7 =	simm.s32 @p2 $0x1082  }
0x22: {  	[simem:s7], [sflag:s8] =	dma.local @!p0 [hbm:s6], $0xF7A  }
0x23: {  	s9 =	sor.u32 $0xD0000000, s2;
	s6 =	simm.s32 $0x108;
	_ =	swait.ge @!p0 [sflag:s8], $0x0  }
0x24: {  	s3 =	sadd.s32 $0x88, s3;
	s6 =	simm.s32 @!p1 $0x1082;
	[sflag:s4] =	ssyncset.s32 $0xFFFFF086  }
0x25: {  	[simem:s6], [sflag:s4] =	dma.local [hbm:s3], $0xF7A  }
0x26: {  	[smem:$0x3F99] =	sst s1;
	(tag) =	ssettag s2;
	_ =	strace s9  }
0x27: {  	s1 =	sld [smem:$0x3FA9]  }
0x28: {  	s2 =	sld [smem:$0x3FAA]  }
0x29: {  	s4 =	sld [smem:$0x3FAC]  }
0x2a: {  	p0 =	seq.s32 s5, $0x0;
	s5 =	sld [smem:$0x3FAD]  }
0x2b: {  	s6 =	sld [smem:$0x3FAE]  }
0x2c: {  	s7 =	sld [smem:$0x3FAF]  }
0x2d: {  	s3 =	simm.s32 $0x108;
	s8 =	sld [smem:$0x3FB0]  }
0x2e: {  	s3 =	simm.s32 @!p0 $0x1082;
	s9 =	sld [smem:$0x3FB1]  }
0x2f: {  	lr =	sadd.s32 s0, s3;
	s0 =	sld [smem:$0x3FA8]  }
0x30: {  	s3 =	sld [smem:$0x3FAB]  }
0x31: {  	[smem:$0x3FB4] =	sst s10  }
0x32: {  	s10 =	sld [smem:$0x3FB2];
	_ =	sdelay $0x3  }
0x33: {  	p0 =	seq.s32 s10, $0x1;
	s10 =	sld [smem:$0x3FB4];
	_ =	sdelay $0x3  }
0x34: {  	[smem:$0x3FB4] =	sst s10  }
0x35: {  	s10 =	sld [smem:$0x3FB3];
	_ =	sdelay $0x3  }
0x36: {  	p1 =	seq.s32 s10, $0x1;
	s10 =	sld [smem:$0x3FB4];
	_ =	sdelay $0x3  }
0x37: {  	[smem:$0x3FB4] =	sst s10  }
0x38: {  	s10 =	sld [smem:$0x3FB5]  }
0x39: {  	_ = 	snop;
	(pc) =	sbr.ind lr, $3  }
0x3a: {  	_ = 	snop  }
0x3b: {  	_ = 	snop  }
0x3c: {  	p2 =	seq.s32 s10, $0x1;
	s10 =	sld [smem:$0x3FB4]  }
0x3d: {  	_ =	shalt  }
0x3e: {  	_ =	shalt  }
0x3f: {  	_ =	shalt  }
0x40: {  	_ =	shalt  }
0x41: {  	_ =	shalt  }
0x42: {  	_ =	shalt  }
0x43: {  	_ =	shalt  }
0x44: {  	_ =	shalt  }
0x45: {  	_ =	shalt  }
0x46: {  	_ =	shalt  }
0x47: {  	_ =	shalt  }
0x48: {  	_ =	shalt  }
0x49: {  	_ =	shalt  }
0x4a: {  	_ =	shalt  }
0x4b: {  	_ =	shalt  }
0x4c: {  	_ =	shalt  }
0x4d: {  	_ =	shalt  }
0x4e: {  	_ =	shalt  }
0x4f: {  	_ =	shalt  }
0x50: {  	_ =	shalt  }
0x51: {  	_ =	shalt  }
0x52: {  	_ =	shalt  }
0x53: {  	_ =	shalt  }
0x54: {  	_ =	shalt  }
0x55: {  	_ =	shalt  }
0x56: {  	_ =	shalt  }
0x57: {  	_ =	shalt  }
0x58: {  	_ =	shalt  }
0x59: {  	_ =	shalt  }
0x5a: {  	_ =	shalt  }
0x5b: {  	_ =	shalt  }
0x5c: {  	_ =	shalt  }
0x5d: {  	_ =	shalt  }
0x5e: {  	_ =	shalt  }
0x5f: {  	_ =	shalt  }
0x60: {  	_ =	shalt  }
0x61: {  	_ =	shalt  }
0x62: {  	_ =	shalt  }
0x63: {  	_ =	shalt  }
0x64: {  	_ =	shalt  }
0x65: {  	_ =	shalt  }
0x66: {  	_ =	shalt  }
0x67: {  	_ =	shalt  }
0x68: {  	_ =	shalt  }
0x69: {  	_ =	shalt  }
0x6a: {  	_ =	shalt  }
0x6b: {  	_ =	shalt  }
0x6c: {  	_ =	shalt  }
0x6d: {  	_ =	shalt  }
0x6e: {  	_ =	shalt  }
0x6f: {  	_ =	shalt  }
0x70: {  	_ =	shalt  }
0x71: {  	_ =	shalt  }
0x72: {  	_ =	shalt  }
0x73: {  	_ =	shalt  }
0x74: {  	_ =	shalt  }
0x75: {  	_ =	shalt  }
0x76: {  	_ =	shalt  }
0x77: {  	_ =	shalt  }
0x78: {  	_ =	shalt  }
0x79: {  	_ =	shalt  }
0x7a: {  	_ =	shalt  }
0x7b: {  	_ =	shalt  }
0x7c: {  	_ =	shalt  }
0x7d: {  	_ =	shalt  }
0x7e: {  	_ =	shalt  }
0x7f: {  	_ =	shalt  }
0x80: {  	_ =	shalt  }
0x81: {  	_ =	shalt  }
0x82: {  	_ =	shalt  }
0x83: {  	_ =	shalt  }
0x84: {  	_ =	shalt  }
0x85: {  	_ =	shalt  }
0x86: {  	_ =	shalt  }
0x87: {  	_ =	shalt  }
.Lfunc_end0:
.L_simem_size_0:
called_computation_lowered:
.L_overlay_start_0:
0x88: {  	s2 =	sld [smem:$0x3FD9]  }
0x89: {  	s3 =	sld [smem:$0x3FFE];
	_ =	sdelay $0x1  }
0x8a: {  	s1 =	srdreg.scid  }
0x8b: {  	s0 =	sand.u32 $0x1, s1  }
0x8c: {  	s17 =	sshll.u32 s0, $0xA;
	s2 =	sadd.s32 s3, s2  }
0x8d: {  	s2 =	sadd.s32 s2, s17  }
0x8e: {  	[smem:$0x3FC0] =	sst s2  }
0x8f: {  	_ = 	snop  }
0x90: {  	s2 =	sld [smem:$0x3FC9]  }
0x91: {  	s18 =	sld [smem:$0x3FC8];
	(tm) =	ssettm $0x1  }
0x92: {  	s4 =	sld [smem:$0x3FFB];
	_ =	sdelay $0x3  }
0x93: {  	_ =	strace s4  }
0x94: {  	s4 =	sld [smem:$0x3FFC];
	_ =	sdelay $0x3  }
0x95: {  	_ =	strace s4  }
0x96: {  	s4 =	sld [smem:$0x3FFD];
	_ =	sdelay $0x3  }
0x97: {  	_ =	strace s4  }
0x98: {  	_ =	strace $0x8FFFFFFF  }
0x99: {  	s19 =	sld [smem:$0x3FDB];
	_ =	sdelay $0x1  }
0x9a: {  	s5 =	simm.s32 $_scs_section_size  }
0x9b: {  	s6 =	simm.s32 $_size__tile_overlayer_lowered;
	s7 =	simm.s32 $_tile_overlayer_lowered  }
0x9c: {  	s22 =	simm.s32 $0x1BFF;
	s21 =	sshll.u32 s7, $0x1;
	s4 =	sadd.s32 s5, s19  }
0x9d: {  	s8 =	simm.s32 $0x0;
	s20 =	sshll.u32 s6, $0x1;
	s6 =	sadd.s32 s21, s4  }
0x9e: {  	[timem:s8], [sflag:s22] =	dma.local [hbm:s6], s20  }
0x9f: {  	_ =	swait.ge [sflag:s22], s20  }
0xa0: {  	s5 =	ssub.s32 $0x0, s20;
	[sflag:s22] =	ssyncset.done $0x0  }
0xa1: {  	[sflag:s22] =	ssyncadd.s32 s5;
	_ =	sdelay $0x1  }
0xa2: {  	s23 =	simm.s32 $0x1B8B  }
0xa3: {  	_ =	swait.ge [sflag:s23], $0x1  }
0xa4: {  	[sflag:s23] =	ssyncset.done $0x0  }
0xa5: {  	s25 =	simm.s32 $0x1B8E;
	s24 =	sld [smem:$0x3FFE];
	[sflag:s23] =	ssyncadd.s32 $0xFFFFFFFF  }
0xa6: {  	s26 =	simm.s32 $execute0_lowered;
	[smem:$0x3FD2] =	sst s25  }
0xa7: {  	s6 =	sshll.u32 s26, $0x1;
	_ =	strace $0x80000046;
	[dreg:$0x1] =	wrdreg $0xFFFFFFFF  }
0xa8: {  	s28 =	simm.s32 $_size_execute0_lowered;
	s4 =	sadd.s32 s4, s6;
	[dreg:$0x0] =	wrdreg $0x0  }
0xa9: {  	s6 =	sshll.u32 s28, $0x1;
	[dreg:$0x2] =	wrdreg s4  }
0xaa: {  	[dreg:$0x3] =	wrdreg s6  }
0xab: {  	[dreg:$0x4] =	wrdreg $0xC0  }
0xac: {  	_ =	task [dreg:s8], $0x5FFFF  }
0xad: {  	[dreg:$0x1] =	wrdreg $0xFFFFFFFF  }
0xae: {  	[dreg:$0x0] =	wrdreg $0x60  }
0xaf: {  	[dreg:$0x2] =	wrdreg s2  }
0xb0: {  	[dreg:$0x3] =	wrdreg s18  }
0xb1: {  	[dreg:$0x4] =	wrdreg s24  }
0xb2: {  	[dreg:$0x5] =	wrdreg $0x9  }
0xb3: {  	_ =	task.clear_ibuf [dreg:s8], $0x6FFFF;
	_ =	strace $0x90000046  }
0xb4: {  	s29 =	simm.s32 $0x9;
	_ =	strace $0x80000048  }
0xb5: {  	_ =	swait.ge [sflag:s29], $0x1  }
0xb6: {  	[sflag:s29] =	ssyncadd.s32 $0xFFFFFFFF  }
0xb7: {  	_ =	strace $0x90000048  }
0xb8: {  	_ =	sfence  }
0xb9: {  	s30 =	sld [smem:$0x0];
	_ =	sdelay $0x2  }
0xba: {  	s31 =	sshll.u32 s1, $0xD;
	s1 =	sshrl.u32 s1, $0x2  }
0xbb: {  	s3 =	sand.u32 $0x4000, s31;
	s1 =	sadd.s32 s1, s30  }
0xbc: {  	s0 =	sor.u32 s3, s0;
	s1 =	sshll.u32 s1, $0x11  }
0xbd: {  	s0 =	sor.u32 s1, s0  }
0xbe: {  	s0 =	sadd.s32 $0x8F2B, s0  }
0xbf: {  	[sflag:s0] =	ssyncadd.remote.s32 $0x1  }
0xc0: {  	_ =	sfence.sel $0xFFFF  }
0xc1: {  	[dreg:$0x0] =	wrdreg $0xFFFFFFFF;
	(pc) =	sbr.abs _section_cstart, $3  }
0xc2: {  	[dreg:$0x1] =	wrdreg $0xFFFFFFFF  }
0xc3: {  	_ =	task.clear_ibuf [dreg:s8], $0x2FFFF;
	_ =	strace $0x9FFFFFFF  }
0xc4: {  	(tm) =	ssettm $0x7FFFFFFF  }
0xc5: {  	_ =	shalt  }
tec
execute0_lowered:
.L_overlay_start_1:
0x0: {  	(tag) =	ssettag $0x1  }
0x1: {  	s1 =	srdreg.scid;
	s0 =	stileid.u32  }
0x2: {  	s6 =	sand.u32 $0x1, s1;
	s5 =	sshll.u32 s0, $0x1  }
0x3: {  	s10 =	sor.u32 s6, s5  }
0x4: {  	p0 =	sgt.u32 s10, $0x18  }
.Ltmp0:
0x5: {  	s4 =	rddreg [dreg:$0x0];
	(pc) =	sbr.rel @p0 .LBB2_4-.Ltmp0, $4  }
0x6: {  	s2 =	rddreg [dreg:$0x1]  }
0x7: {  	s9 =	rddreg [dreg:$0x2];
	s3 =	simm.s32 $0x0  }
0x8: {  	[smem:$0x7FF] =	sst s3  }
0x9: {  	s1 =	rddreg [dreg:$0x3];
	_ =	strace $0x80000047  }
0xa: {  	s5 =	sadd.s32 s4, s10  }
0xb: {  	s4 =	simm.s32 $0x2;
	s11 =	ssub.s32 $0x2, s6;
	s6 =	simm.s32 $0x8  }
0xc: {  	[tilespmem:s3], [sflag:$0x2] =	stream.linear.gather [hbm4b:s5+s3], $0x8, $0x38;
	[tilespmem:$0x480] =	vst v63  }
0xd: {  	s7 =	simm.s32 $0x80;
	s12 =	sshrl.u32 s11, $0x1;
	_ =	swait.ge [sflag:s4], $0x8  }
0xe: {  	s8 =	simm.s32 $0x1;
	s31 =	ssub.s32 s11, s12;
	[sflag:s4] =	ssyncset.done $0x0  }
0xf: {  	s30 =	sshll.u32 s10, $0x7;
	s10 =	smax.u32 s31, $0x1;
	[sflag:s4] =	ssyncadd.s32 $0xFFFFFFF8  }
0x10: {  	[tilespmem:s7], [sflag:$0x1] =	stream.indirect.gather [hbm4b:s2+s6], $0x80, s3, s6, $0xb8;
	[tilespmem:$0x480] =	vst v63  }
0x11: {  	p0 =	sne.s32 s10, $0x1;
	_ =	swait.ge [sflag:s8], $0x400  }
.Ltmp1:
0x12: {  	s9 =	sadd.s32 s30, s9;
	[sflag:s8] =	ssyncset.done $0x0;
	(pc) =	sbr.rel @!p0 .LBB2_3-.Ltmp1, $4  }
0x13: {  	s9 =	sadd.s32 $0x1000, s9;
	[sflag:s8] =	ssyncadd.s32 $0xFFFFFC00  }
0x14: {  	[hbm4b:s9+s3] =	stream.linear.scatter [tilespmem:s7], [sflag:$0x2], $0x400, $0x38;
	[tilespmem:$0x480] =	vst v63  }
0x15: {  	_ =	swait.ge [sflag:s4], $0x400  }
0x16: {  	s10 =	sadd.s32 $0xFFFFFFFF, s10;
	[sflag:s4] =	ssyncset.done $0x0  }
.LBB2_2:
0x17: {  	p0 =	sne.s32 s10, $0x1;
	s10 =	sadd.s32 $0xFFFFFFFF, s10;
	[sflag:s4] =	ssyncadd.s32 $0xFFFFFC00  }
0x18: {  	[tilespmem:s3], [sflag:$0x2] =	stream.linear.gather [hbm4b:s5+s3], $0x8, $0x38;
	[tilespmem:$0x480] =	vst v63  }
0x19: {  	_ =	swait.ge [sflag:s4], $0x8  }
0x1a: {  	[sflag:s4] =	ssyncset.done $0x0  }
0x1b: {  	[sflag:s4] =	ssyncadd.s32 $0xFFFFFFF8  }
0x1c: {  	[tilespmem:s7], [sflag:$0x1] =	stream.indirect.gather [hbm4b:s2+s6], $0x80, s3, s6, $0xb8;
	[tilespmem:$0x480] =	vst v63  }
0x1d: {  	_ =	swait.ge [sflag:s8], $0x400  }
.Ltmp2:
0x1e: {  	[sflag:s8] =	ssyncset.done $0x0;
	(pc) =	sbr.rel @p0 .LBB2_2-.Ltmp2, $4  }
0x1f: {  	[sflag:s8] =	ssyncadd.s32 $0xFFFFFC00  }
0x20: {  	[hbm4b:s9+s3] =	stream.linear.scatter [tilespmem:s7], [sflag:$0x2], $0x400, $0x38;
	[tilespmem:$0x480] =	vst v63  }
0x21: {  	_ =	swait.ge [sflag:s4], $0x400  }
0x22: {  	[sflag:s4] =	ssyncset.done $0x0  }
.LBB2_3:
0x23: {  	[sflag:s4] =	ssyncadd.s32 $0xFFFFFC00  }
.LBB2_4:
0x24: {  	_ =	sfence.sel $0x180000  }
0x25: {  	[bflag:$0x0] =	sbarrier.arrive $0xFFFF  }
0x26: {  	p0 =	sne.s32 s0, $0x0;
	_ =	strace $0x90000047  }
0x27: {  	s0 =	sadd.s32 @!p0 $0x100000, s1;
	[bflag:$0x2] =	sbarrier.arrive $0xFFFF  }
0x28: {  	[sflag:s0] =	ssyncadd.tile.s32 @!p0 $0x1;
	_ =	shalt  }
.Lfunc_end2:
_tile_overlayer_lowered:
.L_overlay_start_2:
0x29: {  	(tag) =	ssettag $0x2  }
0x2a: {  	s0 =	rddreg [dreg:$0x0];
	s2 =	stileid.u32  }
0x2b: {  	s1 =	rddreg [dreg:$0x1];
	p0 =	sne.s32 s2, $0x0  }
0x2c: {  	s3 =	rddreg [dreg:$0x2];
	[bflag:$0x3] =	sbarrier.arrive $0xFFFF;
	s2 =	simm.s32 @!p0 $0x1C02  }
0x2d: {  	[timem:s3], [sflag:s2] =	dma.local @!p0 [hbm:s0], s1  }
0x2e: {  	s0 =	simm.s32 @!p0 $0x2  }
0x2f: {  	_ =	swait.ge @!p0 [sflag:s0], s1  }
0x30: {  	s1 =	ssub.s32 @!p0 $0x0, s1;
	[sflag:s0] =	ssyncset.done @!p0 $0x0  }
0x31: {  	[sflag:s0] =	ssyncadd.s32 @!p0 s1  }
0x32: {  	[bflag:$0x3] =	sbarrier.arrive $0xFFFF  }
0x33: {  	_ =	shalt  }

</sc_bundles>
